<compile_context>
chip_gen: v7x
topology: tpu7x:2x2x1
jax: 0.10.2.dev20260603
libtpu: 0.0.44.dev20260713+nightly
codegen_flags: <defaults>
</compile_context>

<pallas_src>
import functools

import jax
import jax.numpy as jnp
from jax import lax
from jax.experimental import pallas as pl
from jax.experimental.pallas import tpu as pltpu
from jax.experimental.pallas import tpu_sc as plsc

N_NODES = 10000
N_EDGES = 320000
D_FEAT = 128
HIDDEN = 64
NUM_GRAPHS = 64

NC = 2
NS = 16
NW = NC * NS
EPW = N_EDGES // NW
CHUNK = 80
NCHUNK = EPW // CHUNK
NPAD = 10240
ROWS_PER_TILE = NPAD // NS

_mesh = plsc.VectorSubcoreMesh(core_axis_name="c", subcore_axis_name="s")



@functools.partial(
    pl.kernel,
    out_type=jax.ShapeDtypeStruct((NC, NPAD, 16), jnp.float32),
    mesh=_mesh,
    scratch_types=[
        pltpu.VMEM((NCHUNK, CHUNK), jnp.int32),
        pltpu.VMEM((CHUNK, 16), jnp.float32),
        pltpu.VMEM_SHARED((NPAD, 16), jnp.float32),
        pltpu.SemaphoreType.DMA,
    ],
    compiler_params=pltpu.CompilerParams(use_tc_tiling_on_sc=False),
)
def _deg_kernel(dsts_hbm, ones_hbm, zeros_hbm, out_hbm, dst_v, ones_v, acc_sh,
                dsem):
    c = lax.axis_index("c")
    s = lax.axis_index("s")
    wid = s * NC + c
    pltpu.sync_copy(dsts_hbm.at[wid], dst_v)
    pltpu.sync_copy(ones_hbm, ones_v)
    pltpu.sync_copy(zeros_hbm.at[pl.ds(s * ROWS_PER_TILE, ROWS_PER_TILE)],
                    acc_sh.at[pl.ds(s * ROWS_PER_TILE, ROWS_PER_TILE)])
    plsc.subcore_barrier()

    def body(j, carry):
        pltpu.async_copy(ones_v, acc_sh.at[dst_v.at[j]], dsem, add=True)
        return carry

    lax.fori_loop(0, NCHUNK, body, 0)

    def drain(j, carry):
        pltpu.make_async_copy(ones_v, acc_sh.at[dst_v.at[0]], dsem).wait()
        return carry

    lax.fori_loop(0, NCHUNK, drain, 0)
    plsc.subcore_barrier()
    pltpu.sync_copy(acc_sh.at[pl.ds(s * ROWS_PER_TILE, ROWS_PER_TILE)],
                    out_hbm.at[c, pl.ds(s * ROWS_PER_TILE, ROWS_PER_TILE)])


NBUF = 5


@functools.partial(
    pl.kernel,
    out_type=jax.ShapeDtypeStruct((NC, NPAD, HIDDEN), jnp.float32),
    mesh=_mesh,
    scratch_types=[
        pltpu.VMEM((NCHUNK, CHUNK), jnp.int32),
        pltpu.VMEM((NCHUNK, CHUNK), jnp.int32),
        [pltpu.VMEM((CHUNK, HIDDEN), jnp.float32) for _ in range(NBUF)],
        pltpu.VMEM_SHARED((NPAD, HIDDEN), jnp.float32),
        [pltpu.SemaphoreType.DMA for _ in range(NBUF)],
    ],
    compiler_params=pltpu.CompilerParams(use_tc_tiling_on_sc=False),
)
def _agg_kernel(t_hbm, srcs_hbm, dsts_hbm, zeros_hbm, out_hbm,
                src_v, dst_v, rows_v, acc_sh, sems):
    c = lax.axis_index("c")
    s = lax.axis_index("s")
    wid = s * NC + c
    pltpu.sync_copy(srcs_hbm.at[wid], src_v)
    pltpu.sync_copy(dsts_hbm.at[wid], dst_v)
    pltpu.sync_copy(zeros_hbm.at[pl.ds(s * ROWS_PER_TILE, ROWS_PER_TILE)],
                    acc_sh.at[pl.ds(s * ROWS_PER_TILE, ROWS_PER_TILE)])
    plsc.subcore_barrier()

    for b in range(NBUF):
        pltpu.async_copy(t_hbm.at[src_v.at[b]], rows_v[b], sems[b])

    def body(g, carry):
        base = g * NBUF
        for b in range(NBUF):
            j = base + b
            pltpu.make_async_copy(t_hbm.at[src_v.at[j]], rows_v[b],
                                  sems[b]).wait()
            pltpu.sync_copy(rows_v[b], acc_sh.at[dst_v.at[j]], add=True)

            @pl.when(j + NBUF < NCHUNK)
            def _():
                pltpu.async_copy(t_hbm.at[src_v.at[j + NBUF]], rows_v[b],
                                 sems[b])
        return carry

    lax.fori_loop(0, NCHUNK // NBUF, body, 0)
    plsc.subcore_barrier()
    pltpu.sync_copy(acc_sh.at[pl.ds(s * ROWS_PER_TILE, ROWS_PER_TILE)],
                    out_hbm.at[c, pl.ds(s * ROWS_PER_TILE, ROWS_PER_TILE)])



BR = 1280
NBLK = NPAD // BR




def _pack(v):
    return jnp.concatenate([v[0:BR // 2], v[BR // 2:BR]], axis=1)


def _unpack(p):
    return jnp.concatenate([p[:, 0:HIDDEN], p[:, HIDDEN:2 * HIDDEN]], axis=0)


def _dinv_blk(degp_ref):
    deg_a = degp_ref[0, :, 0:1] + degp_ref[1, :, 0:1] + 1.0
    deg_b = degp_ref[0, :, 16:17] + degp_ref[1, :, 16:17] + 1.0
    return 1.0 / jnp.sqrt(jnp.concatenate([deg_a, deg_b], axis=0))


def _dense1_body(x_ref, w1_ref, degp_ref, t1_ref):
    dinv = _dinv_blk(degp_ref)
    xw = jnp.dot(x_ref[...], w1_ref[...], preferred_element_type=jnp.float32)
    t1_ref[...] = _pack(xw * dinv)


def _dense2_body(aggp_ref, t1_ref, degp_ref, b1_ref, w2_ref, t2_ref):
    dinv = _dinv_blk(degp_ref)
    agg = _unpack(aggp_ref[0] + aggp_ref[1] + t1_ref[...])
    h1 = jnp.maximum(agg * dinv + b1_ref[...], 0.0)
    t2 = jnp.dot(h1, w2_ref[...], preferred_element_type=jnp.float32) * dinv
    t2_ref[...] = _pack(t2)


def _dense3_body(aggp_ref, t2_ref, degp_ref, b2_ref, batch_ref, fcw_ref,
                 fcb_ref, out_ref, sums_ref, counts_ref):
    i = pl.program_id(0)
    dinv = _dinv_blk(degp_ref)
    agg = _unpack(aggp_ref[0] + aggp_ref[1] + t2_ref[...])
    h2 = jnp.maximum(agg * dinv + b2_ref[...], 0.0)
    rowid = lax.broadcasted_iota(jnp.int32, (BR, 1), 0) + i * BR
    h2 = jnp.where(rowid < N_NODES, h2, 0.0)
    gids = lax.broadcasted_iota(jnp.int32, (NUM_GRAPHS, BR), 0)
    colid = lax.broadcasted_iota(jnp.int32, (NUM_GRAPHS, BR), 1) + i * BR
    onehot = ((batch_ref[...] == gids) & (colid < N_NODES)).astype(jnp.float32)
    part = jnp.dot(onehot, h2, preferred_element_type=jnp.float32,
                   precision=lax.Precision.HIGHEST)
    pcnt = jnp.sum(onehot, axis=1, keepdims=True)

    @pl.when(i == 0)
    def _():
        sums_ref[...] = part
        counts_ref[...] = pcnt

    @pl.when(i > 0)
    def _():
        sums_ref[...] += part
        counts_ref[...] += pcnt

    @pl.when(i == NBLK - 1)
    def _():
        pooled = sums_ref[...] / jnp.maximum(counts_ref[...], 1.0)
        out_ref[...] = jnp.dot(pooled, fcw_ref[...],
                               preferred_element_type=jnp.float32) \
            + fcb_ref[...]


def _row_spec(width):
    return pl.BlockSpec((BR, width), lambda i: (i, 0))


def _full_spec(shape):
    nd = len(shape)
    return pl.BlockSpec(shape, lambda i, _nd=nd: (0,) * _nd)


_DEGP_SPEC = pl.BlockSpec((NC, BR // 2, 32), lambda i: (0, i, 0))
_AGGP_SPEC = pl.BlockSpec((NC, BR // 2, 2 * HIDDEN), lambda i: (0, i, 0))
_PACK_SPEC = pl.BlockSpec((BR // 2, 2 * HIDDEN), lambda i: (i, 0))


def _dense1(x, W1, degp):
    return pl.pallas_call(
        _dense1_body,
        grid=(NBLK,),
        in_specs=[_row_spec(D_FEAT), _full_spec((D_FEAT, HIDDEN)),
                  _DEGP_SPEC],
        out_specs=_PACK_SPEC,
        out_shape=jax.ShapeDtypeStruct((NPAD // 2, 2 * HIDDEN), jnp.float32),
    )(x, W1, degp)


def _dense2(aggp, t1, degp, b1, W2):
    return pl.pallas_call(
        _dense2_body,
        grid=(NBLK,),
        in_specs=[_AGGP_SPEC, _PACK_SPEC, _DEGP_SPEC,
                  _full_spec((1, HIDDEN)), _full_spec((HIDDEN, HIDDEN))],
        out_specs=_PACK_SPEC,
        out_shape=jax.ShapeDtypeStruct((NPAD // 2, 2 * HIDDEN), jnp.float32),
    )(aggp, t1, degp, b1, W2)


def _dense3(aggp, t2, degp, b2, batch2d, fc_w, fc_b):
    return pl.pallas_call(
        _dense3_body,
        grid=(NBLK,),
        in_specs=[_AGGP_SPEC, _PACK_SPEC, _DEGP_SPEC,
                  _full_spec((1, HIDDEN)),
                  pl.BlockSpec((1, BR), lambda i: (0, i)),
                  _full_spec((HIDDEN, 1)), _full_spec((1, 1))],
        out_specs=_full_spec((NUM_GRAPHS, 1)),
        out_shape=jax.ShapeDtypeStruct((NUM_GRAPHS, 1), jnp.float32),
        scratch_shapes=[pltpu.VMEM((NUM_GRAPHS, HIDDEN), jnp.float32),
                        pltpu.VMEM((NUM_GRAPHS, 1), jnp.float32)],
    )(aggp, t2, degp, b2, batch2d, fc_w, fc_b)



def _pos(v):
    rem = v % BR
    return (v - rem) + 2 * (rem % (BR // 2)) + rem // (BR // 2)


def kernel(x, edge_index, batch, W1, b1, W2, b2, fc_w, fc_b):
    src = _pos(edge_index[0].astype(jnp.int32)).reshape(NW, NCHUNK, CHUNK)
    dst = _pos(edge_index[1].astype(jnp.int32)).reshape(NW, NCHUNK, CHUNK)
    batch2d = batch.astype(jnp.int32).reshape(1, N_NODES)

    ones16 = jnp.ones((CHUNK, 16), jnp.float32)
    zeros16 = jnp.zeros((NPAD, 16), jnp.float32)
    zeros64 = jnp.zeros((NPAD, HIDDEN), jnp.float32)

    degp = _deg_kernel(dst, ones16, zeros16)
    degp32 = degp.reshape(NC, NPAD // 2, 32)

    t1p = _dense1(x, W1, degp32)
    agg1 = _agg_kernel(t1p.reshape(NPAD, HIDDEN), src, dst, zeros64)
    t2p = _dense2(agg1.reshape(NC, NPAD // 2, 2 * HIDDEN), t1p, degp32,
                  b1.reshape(1, HIDDEN), W2)
    agg2 = _agg_kernel(t2p.reshape(NPAD, HIDDEN), src, dst, zeros64)
    out = _dense3(agg2.reshape(NC, NPAD // 2, 2 * HIDDEN), t2p, degp32,
                  b2.reshape(1, HIDDEN), batch2d, fc_w, fc_b.reshape(1, 1))
    return out

# --- scband reference (transcript-rebuilt; emitter-appended) ---
"""Pipeline reference for scband-gnnmodel-3582002725150 (READ-ONLY COPY).

The authoritative reference and input builder live on the scoring server;
editing this copy changes nothing except your own understanding.
"""

import jax, jax.numpy as jnp
import numpy as np

N_NODES = 10000
N_EDGES = 320000
D_FEAT = 128
HIDDEN = 64
NUM_GRAPHS = 64


def setup_inputs(seed: int = 0) -> dict:
    key = jax.random.key(seed)
    ks = jax.random.split(key, 10)
    x = jax.random.normal(ks[0], (N_NODES, D_FEAT), dtype=jnp.float32)
    edge_index = jax.random.randint(ks[1], (2, N_EDGES), 0, N_NODES, dtype=jnp.int64)
    batch = jnp.sort(jax.random.randint(ks[2], (N_NODES,), 0, NUM_GRAPHS, dtype=jnp.int64))
    # GCNConv1: in=D_FEAT, out=HIDDEN (glorot-style scaling)
    W1 = jax.random.normal(ks[3], (D_FEAT, HIDDEN), dtype=jnp.float32) * (1.0 / np.sqrt(D_FEAT))
    b1 = jnp.zeros((HIDDEN,), dtype=jnp.float32)
    # GCNConv2: in=HIDDEN, out=HIDDEN
    W2 = jax.random.normal(ks[4], (HIDDEN, HIDDEN), dtype=jnp.float32) * (1.0 / np.sqrt(HIDDEN))
    b2 = jnp.zeros((HIDDEN,), dtype=jnp.float32)
    # Final linear: HIDDEN -> 1
    fc_w = jax.random.normal(ks[5], (HIDDEN, 1), dtype=jnp.float32) * (1.0 / np.sqrt(HIDDEN))
    fc_b = jnp.zeros((1,), dtype=jnp.float32)
    return {"x": x, "edge_index": edge_index, "batch": batch,
            "W1": W1, "b1": b1, "W2": W2, "b2": b2,
            "fc_w": fc_w, "fc_b": fc_b}


def _gcn_conv(x, src, dst, norm, W, b):
    # GCNConv: D^{-1/2} (A + I) D^{-1/2} X W + b, with precomputed norm per edge
    xw = x @ W
    msg = jnp.take(xw, src, axis=0) * norm[:, None]
    out = jnp.zeros((x.shape[0], W.shape[1]), dtype=x.dtype).at[dst].add(msg)
    return out + b


def _norm_and_loops(edge_index, num_nodes):
    loop = jnp.arange(num_nodes, dtype=edge_index.dtype)
    src = jnp.concatenate([edge_index[0], loop])
    dst = jnp.concatenate([edge_index[1], loop])
    deg = jnp.zeros((num_nodes,), dtype=jnp.float32).at[dst].add(1.0)
    dinv = jnp.where(deg > 0, 1.0 / jnp.sqrt(deg), 0.0)
    norm = dinv[src] * dinv[dst]
    return src, dst, norm


def reference(x, edge_index, batch, W1, b1, W2, b2, fc_w, fc_b):
    src, dst, norm = _norm_and_loops(edge_index, N_NODES)
    h = jax.nn.relu(_gcn_conv(x, src, dst, norm, W1, b1))
    h = jax.nn.relu(_gcn_conv(h, src, dst, norm, W2, b2))
    # global_mean_pool over graph ids
    sums = jnp.zeros((NUM_GRAPHS, HIDDEN), dtype=h.dtype).at[batch].add(h)
    counts = jnp.zeros((NUM_GRAPHS,), dtype=h.dtype).at[batch].add(1.0)
    pooled = sums / jnp.maximum(counts, 1.0)[:, None]
    return pooled @ fc_w + fc_b

if __name__ == "__main__":
    import jax
    _d = setup_inputs()
    print(jax.jit(kernel)(*tuple(_d.values())))

</pallas_src>

<mosaic_0001>
#map = affine_map<(d0, d1) -> (0, 0, 0)>
#map1 = affine_map<(d0, d1) -> (0, 0)>
module attributes {stable_mosaic.version = 14 : i64} {
  func.func @_deg_kernel(%arg0: i32, %arg1: i32, %arg2: memref<32x125x80xi32, #tpu.memory_space<hbm>>, %arg3: memref<80x16xf32, #tpu.memory_space<hbm>>, %arg4: memref<10240x16xf32, #tpu.memory_space<hbm>>, %arg5: memref<2x10240x16xf32, #tpu.memory_space<hbm>>, %arg6: memref<125x80xi32, #tpu.memory_space<vmem>>, %arg7: memref<80x16xf32, #tpu.memory_space<vmem>>, %arg8: memref<10240x16xf32, #tpu.memory_space<vmem_shared>>, %arg9: memref<!tpu.dma_semaphore, #tpu.memory_space<semaphore_mem>>) attributes {dimension_semantics = [#tpu.dimension_semantics<core_parallel>, #tpu.dimension_semantics<subcore_parallel>], iteration_bounds = array<i64: 2, 16>, scalar_prefetch = 0 : i64, scratch_operands = 4 : i64, tpu.core_type = #tpu.core_type<sc_vector_subcore>, window_params = [{transform_indices = #map}, {transform_indices = #map1}, {transform_indices = #map1}, {transform_indices = #map}]} {
    %mul3A = arith.constant 2 : i32
    %mul3A_0 = arith.muli %arg1, %mul3A : i32
    %add3A = arith.addi %mul3A_0, %arg0 : i32
    "tpu.region"() ({
      %run_scoped3A = tpu.sem_alloc : memref<!tpu.dma_semaphore, #tpu.memory_space<semaphore_mem>>
      %dma_start3A = arith.constant 0 : i32
      %dma_start3A_21 = arith.constant 0 : i32
      %dma_start3A_22 = tpu.memref_slice %arg2[%add3A, %dma_start3A, %dma_start3A_21] : memref<32x125x80xi32, #tpu.memory_space<hbm>> -> memref<1x125x80xi32, #tpu.memory_space<hbm>>
      %dma_start3A_23 = tpu.memref_squeeze %dma_start3A_22 : memref<1x125x80xi32, #tpu.memory_space<hbm>> -> memref<125x80xi32, #tpu.memory_space<hbm>>
      %dma_start3A_24 = arith.constant 0 : i32
      %dma_start3A_25 = arith.constant 0 : i32
      %dma_start3A_26 = tpu.memref_slice %arg2[%add3A, %dma_start3A_24, %dma_start3A_25] : memref<32x125x80xi32, #tpu.memory_space<hbm>> -> memref<1x125x80xi32, #tpu.memory_space<hbm>>
      %dma_start3A_27 = tpu.memref_squeeze %dma_start3A_26 : memref<1x125x80xi32, #tpu.memory_space<hbm>> -> memref<125x80xi32, #tpu.memory_space<hbm>>
      tpu.enqueue_dma source(%dma_start3A_27 : memref<125x80xi32, #tpu.memory_space<hbm>>) target(%arg6 : memref<125x80xi32, #tpu.memory_space<vmem>>) target_semaphore(%run_scoped3A : memref<!tpu.dma_semaphore, #tpu.memory_space<semaphore_mem>>)
      %dma_wait3A = arith.constant 0 : i32
      %dma_wait3A_28 = arith.constant 0 : i32
      %dma_wait3A_29 = tpu.memref_slice %arg2[%add3A, %dma_wait3A, %dma_wait3A_28] : memref<32x125x80xi32, #tpu.memory_space<hbm>> -> memref<1x125x80xi32, #tpu.memory_space<hbm>>
      %dma_wait3A_30 = tpu.memref_squeeze %dma_wait3A_29 : memref<1x125x80xi32, #tpu.memory_space<hbm>> -> memref<125x80xi32, #tpu.memory_space<hbm>>
      %dma_wait3A_31 = arith.constant 0 : i32
      %dma_wait3A_32 = arith.constant 0 : i32
      %dma_wait3A_33 = tpu.memref_slice %arg2[%add3A, %dma_wait3A_31, %dma_wait3A_32] : memref<32x125x80xi32, #tpu.memory_space<hbm>> -> memref<1x125x80xi32, #tpu.memory_space<hbm>>
      %dma_wait3A_34 = tpu.memref_squeeze %dma_wait3A_33 : memref<1x125x80xi32, #tpu.memory_space<hbm>> -> memref<125x80xi32, #tpu.memory_space<hbm>>
      tpu.wait_dma2 semaphore(%run_scoped3A : memref<!tpu.dma_semaphore, #tpu.memory_space<semaphore_mem>>) src(%dma_wait3A_34 : memref<125x80xi32, #tpu.memory_space<hbm>>) dst(%arg6 : memref<125x80xi32, #tpu.memory_space<vmem>>)
      tpu.yield
    }) : () -> ()
    "tpu.region"() ({
      %run_scoped3A = tpu.sem_alloc : memref<!tpu.dma_semaphore, #tpu.memory_space<semaphore_mem>>
      tpu.enqueue_dma source(%arg3 : memref<80x16xf32, #tpu.memory_space<hbm>>) target(%arg7 : memref<80x16xf32, #tpu.memory_space<vmem>>) target_semaphore(%run_scoped3A : memref<!tpu.dma_semaphore, #tpu.memory_space<semaphore_mem>>)
      tpu.wait_dma2 semaphore(%run_scoped3A : memref<!tpu.dma_semaphore, #tpu.memory_space<semaphore_mem>>) src(%arg3 : memref<80x16xf32, #tpu.memory_space<hbm>>) dst(%arg7 : memref<80x16xf32, #tpu.memory_space<vmem>>)
      tpu.yield
    }) : () -> ()
    %mul3A_1 = arith.constant 640 : i32
    %mul3A_2 = arith.muli %arg1, %mul3A_1 : i32
    %mul3A_3 = arith.constant 640 : i32
    %mul3A_4 = arith.muli %arg1, %mul3A_3 : i32
    "tpu.region"() ({
      %run_scoped3A = tpu.sem_alloc : memref<!tpu.dma_semaphore, #tpu.memory_space<semaphore_mem>>
      %dma_start3A = arith.constant 0 : i32
      %dma_start3A_21 = tpu.memref_slice %arg8[%mul3A_4, %dma_start3A] : memref<10240x16xf32, #tpu.memory_space<vmem_shared>> -> memref<640x16xf32, #tpu.memory_space<vmem_shared>>
      %dma_start3A_22 = arith.constant 0 : i32
      %dma_start3A_23 = tpu.memref_slice %arg4[%mul3A_2, %dma_start3A_22] : memref<10240x16xf32, #tpu.memory_space<hbm>> -> memref<640x16xf32, #tpu.memory_space<hbm>>
      tpu.enqueue_dma source(%dma_start3A_23 : memref<640x16xf32, #tpu.memory_space<hbm>>) target(%dma_start3A_21 : memref<640x16xf32, #tpu.memory_space<vmem_shared>>) target_semaphore(%run_scoped3A : memref<!tpu.dma_semaphore, #tpu.memory_space<semaphore_mem>>)
      %dma_wait3A = arith.constant 0 : i32
      %dma_wait3A_24 = tpu.memref_slice %arg8[%mul3A_4, %dma_wait3A] : memref<10240x16xf32, #tpu.memory_space<vmem_shared>> -> memref<640x16xf32, #tpu.memory_space<vmem_shared>>
      %dma_wait3A_25 = arith.constant 0 : i32
      %dma_wait3A_26 = tpu.memref_slice %arg4[%mul3A_2, %dma_wait3A_25] : memref<10240x16xf32, #tpu.memory_space<hbm>> -> memref<640x16xf32, #tpu.memory_space<hbm>>
      tpu.wait_dma2 semaphore(%run_scoped3A : memref<!tpu.dma_semaphore, #tpu.memory_space<semaphore_mem>>) src(%dma_wait3A_26 : memref<640x16xf32, #tpu.memory_space<hbm>>) dst(%dma_wait3A_24 : memref<640x16xf32, #tpu.memory_space<vmem_shared>>)
      tpu.yield
    }) : () -> ()
    %barrier3A = arith.constant 0 : index
    tpu.barrier barrier_id(%barrier3A)
    %scan3A = arith.constant 0 : i32
    %scan3A_5 = arith.constant 0 : i32
    %scan3A_6 = arith.constant 125 : i32
    %scan3A_7 = arith.addi %scan3A_5, %scan3A_6 : i32
    %scan3A_8 = arith.constant 1 : i32
    scf.for %scan3A_21 = %scan3A_5 to %scan3A_7 step %scan3A_8  : i32 {
      %dma_start3A = arith.constant 0 : i32
      %dma_start3A_22 = tpu.memref_slice %arg6[%scan3A_21, %dma_start3A] : memref<125x80xi32, #tpu.memory_space<vmem>> -> memref<1x80xi32, #tpu.memory_space<vmem>>
      %dma_start3A_23 = tpu.memref_squeeze %dma_start3A_22 : memref<1x80xi32, #tpu.memory_space<vmem>> -> memref<80xi32, #tpu.memory_space<vmem>>
      %dma_start3A_24 = arith.constant 0 : i32
      %dma_start3A_25 = arith.constant 0 : i32
      %dma_start3A_26 = tpu.memref_slice %arg8[%dma_start3A_24, %dma_start3A_25] : memref<10240x16xf32, #tpu.memory_space<vmem_shared>> -> memref<10240x16xf32, #tpu.memory_space<vmem_shared>>
      tpu.enqueue_indirect_dma source(%arg7 : memref<80x16xf32, #tpu.memory_space<vmem>>) target(%dma_start3A_26 : memref<10240x16xf32, #tpu.memory_space<vmem_shared>>) offsets(%dma_start3A_23 : memref<80xi32, #tpu.memory_space<vmem>>) semaphore(%arg9 : memref<!tpu.dma_semaphore, #tpu.memory_space<semaphore_mem>>) {add = true}
    }
    %scan3A_9 = arith.constant 125 : i32
    %scan3A_10 = arith.constant 0 : i32
    %scan3A_11 = arith.constant 0 : i32
    %scan3A_12 = arith.constant 125 : i32
    %scan3A_13 = arith.addi %scan3A_11, %scan3A_12 : i32
    %scan3A_14 = arith.constant 1 : i32
    scf.for %scan3A_21 = %scan3A_11 to %scan3A_13 step %scan3A_14  : i32 {
      %dma_wait3A = arith.constant 0 : i32
      %dma_wait3A_22 = arith.constant 0 : i32
      %dma_wait3A_23 = tpu.memref_slice %arg6[%dma_wait3A, %dma_wait3A_22] : memref<125x80xi32, #tpu.memory_space<vmem>> -> memref<1x80xi32, #tpu.memory_space<vmem>>
      %dma_wait3A_24 = tpu.memref_squeeze %dma_wait3A_23 : memref<1x80xi32, #tpu.memory_space<vmem>> -> memref<80xi32, #tpu.memory_space<vmem>>
      %dma_wait3A_25 = arith.constant 0 : i32
      %dma_wait3A_26 = arith.constant 0 : i32
      %dma_wait3A_27 = tpu.memref_slice %arg8[%dma_wait3A_25, %dma_wait3A_26] : memref<10240x16xf32, #tpu.memory_space<vmem_shared>> -> memref<10240x16xf32, #tpu.memory_space<vmem_shared>>
      tpu.wait_indirect_dma semaphore(%arg9 : memref<!tpu.dma_semaphore, #tpu.memory_space<semaphore_mem>>) src(%arg7 : memref<80x16xf32, #tpu.memory_space<vmem>>) dst(%dma_wait3A_27 : memref<10240x16xf32, #tpu.memory_space<vmem_shared>>)
    }
    %scan3A_15 = arith.constant 125 : i32
    %barrier3A_16 = arith.constant 0 : index
    tpu.barrier barrier_id(%barrier3A_16)
    %mul3A_17 = arith.constant 640 : i32
    %mul3A_18 = arith.muli %arg1, %mul3A_17 : i32
    %mul3A_19 = arith.constant 640 : i32
    %mul3A_20 = arith.muli %arg1, %mul3A_19 : i32
    "tpu.region"() ({
      %run_scoped3A = tpu.sem_alloc : memref<!tpu.dma_semaphore, #tpu.memory_space<semaphore_mem>>
      %dma_start3A = arith.constant 0 : i32
      %dma_start3A_21 = tpu.memref_slice %arg5[%arg0, %mul3A_20, %dma_start3A] : memref<2x10240x16xf32, #tpu.memory_space<hbm>> -> memref<1x640x16xf32, #tpu.memory_space<hbm>>
      %dma_start3A_22 = tpu.memref_squeeze %dma_start3A_21 : memref<1x640x16xf32, #tpu.memory_space<hbm>> -> memref<640x16xf32, #tpu.memory_space<hbm>>
      %dma_start3A_23 = arith.constant 0 : i32
      %dma_start3A_24 = tpu.memref_slice %arg8[%mul3A_18, %dma_start3A_23] : memref<10240x16xf32, #tpu.memory_space<vmem_shared>> -> memref<640x16xf32, #tpu.memory_space<vmem_shared>>
      tpu.enqueue_dma source(%dma_start3A_24 : memref<640x16xf32, #tpu.memory_space<vmem_shared>>) target(%dma_start3A_22 : memref<640x16xf32, #tpu.memory_space<hbm>>) target_semaphore(%run_scoped3A : memref<!tpu.dma_semaphore, #tpu.memory_space<semaphore_mem>>)
      %dma_wait3A = arith.constant 0 : i32
      %dma_wait3A_25 = tpu.memref_slice %arg5[%arg0, %mul3A_20, %dma_wait3A] : memref<2x10240x16xf32, #tpu.memory_space<hbm>> -> memref<1x640x16xf32, #tpu.memory_space<hbm>>
      %dma_wait3A_26 = tpu.memref_squeeze %dma_wait3A_25 : memref<1x640x16xf32, #tpu.memory_space<hbm>> -> memref<640x16xf32, #tpu.memory_space<hbm>>
      %dma_wait3A_27 = arith.constant 0 : i32
      %dma_wait3A_28 = tpu.memref_slice %arg8[%mul3A_18, %dma_wait3A_27] : memref<10240x16xf32, #tpu.memory_space<vmem_shared>> -> memref<640x16xf32, #tpu.memory_space<vmem_shared>>
      tpu.wait_dma2 semaphore(%run_scoped3A : memref<!tpu.dma_semaphore, #tpu.memory_space<semaphore_mem>>) src(%dma_wait3A_28 : memref<640x16xf32, #tpu.memory_space<vmem_shared>>) dst(%dma_wait3A_26 : memref<640x16xf32, #tpu.memory_space<hbm>>)
      tpu.yield
    }) : () -> ()
    return
  }
}

#map = affine_map<(d0, d1) -> (0, 0)>
#map1 = affine_map<(d0, d1) -> (0, 0, 0)>
module attributes {stable_mosaic.version = 14 : i64} {
  func.func @_agg_kernel(%arg0: i32, %arg1: i32, %arg2: memref<10240x64xf32, #tpu.memory_space<hbm>>, %arg3: memref<32x125x80xi32, #tpu.memory_space<hbm>>, %arg4: memref<32x125x80xi32, #tpu.memory_space<hbm>>, %arg5: memref<10240x64xf32, #tpu.memory_space<hbm>>, %arg6: memref<2x10240x64xf32, #tpu.memory_space<hbm>>, %arg7: memref<125x80xi32, #tpu.memory_space<vmem>>, %arg8: memref<125x80xi32, #tpu.memory_space<vmem>>, %arg9: memref<80x64xf32, #tpu.memory_space<vmem>>, %arg10: memref<80x64xf32, #tpu.memory_space<vmem>>, %arg11: memref<80x64xf32, #tpu.memory_space<vmem>>, %arg12: memref<80x64xf32, #tpu.memory_space<vmem>>, %arg13: memref<80x64xf32, #tpu.memory_space<vmem>>, %arg14: memref<10240x64xf32, #tpu.memory_space<vmem_shared>>, %arg15: memref<!tpu.dma_semaphore, #tpu.memory_space<semaphore_mem>>, %arg16: memref<!tpu.dma_semaphore, #tpu.memory_space<semaphore_mem>>, %arg17: memref<!tpu.dma_semaphore, #tpu.memory_space<semaphore_mem>>, %arg18: memref<!tpu.dma_semaphore, #tpu.memory_space<semaphore_mem>>, %arg19: memref<!tpu.dma_semaphore, #tpu.memory_space<semaphore_mem>>) attributes {dimension_semantics = [#tpu.dimension_semantics<core_parallel>, #tpu.dimension_semantics<subcore_parallel>], iteration_bounds = array<i64: 2, 16>, scalar_prefetch = 0 : i64, scratch_operands = 13 : i64, tpu.core_type = #tpu.core_type<sc_vector_subcore>, window_params = [{transform_indices = #map}, {transform_indices = #map1}, {transform_indices = #map1}, {transform_indices = #map}, {transform_indices = #map1}]} {
    %mul3A = arith.constant 2 : i32
    %mul3A_0 = arith.muli %arg1, %mul3A : i32
    %add3A = arith.addi %mul3A_0, %arg0 : i32
    "tpu.region"() ({
      %run_scoped3A = tpu.sem_alloc : memref<!tpu.dma_semaphore, #tpu.memory_space<semaphore_mem>>
      %dma_start3A_49 = arith.constant 0 : i32
      %dma_start3A_50 = arith.constant 0 : i32
      %dma_start3A_51 = tpu.memref_slice %arg3[%add3A, %dma_start3A_49, %dma_start3A_50] : memref<32x125x80xi32, #tpu.memory_space<hbm>> -> memref<1x125x80xi32, #tpu.memory_space<hbm>>
      %dma_start3A_52 = tpu.memref_squeeze %dma_start3A_51 : memref<1x125x80xi32, #tpu.memory_space<hbm>> -> memref<125x80xi32, #tpu.memory_space<hbm>>
      %dma_start3A_53 = arith.constant 0 : i32
      %dma_start3A_54 = arith.constant 0 : i32
      %dma_start3A_55 = tpu.memref_slice %arg3[%add3A, %dma_start3A_53, %dma_start3A_54] : memref<32x125x80xi32, #tpu.memory_space<hbm>> -> memref<1x125x80xi32, #tpu.memory_space<hbm>>
      %dma_start3A_56 = tpu.memref_squeeze %dma_start3A_55 : memref<1x125x80xi32, #tpu.memory_space<hbm>> -> memref<125x80xi32, #tpu.memory_space<hbm>>
      tpu.enqueue_dma source(%dma_start3A_56 : memref<125x80xi32, #tpu.memory_space<hbm>>) target(%arg7 : memref<125x80xi32, #tpu.memory_space<vmem>>) target_semaphore(%run_scoped3A : memref<!tpu.dma_semaphore, #tpu.memory_space<semaphore_mem>>)
      %dma_wait3A = arith.constant 0 : i32
      %dma_wait3A_57 = arith.constant 0 : i32
      %dma_wait3A_58 = tpu.memref_slice %arg3[%add3A, %dma_wait3A, %dma_wait3A_57] : memref<32x125x80xi32, #tpu.memory_space<hbm>> -> memref<1x125x80xi32, #tpu.memory_space<hbm>>
      %dma_wait3A_59 = tpu.memref_squeeze %dma_wait3A_58 : memref<1x125x80xi32, #tpu.memory_space<hbm>> -> memref<125x80xi32, #tpu.memory_space<hbm>>
      %dma_wait3A_60 = arith.constant 0 : i32
      %dma_wait3A_61 = arith.constant 0 : i32
      %dma_wait3A_62 = tpu.memref_slice %arg3[%add3A, %dma_wait3A_60, %dma_wait3A_61] : memref<32x125x80xi32, #tpu.memory_space<hbm>> -> memref<1x125x80xi32, #tpu.memory_space<hbm>>
      %dma_wait3A_63 = tpu.memref_squeeze %dma_wait3A_62 : memref<1x125x80xi32, #tpu.memory_space<hbm>> -> memref<125x80xi32, #tpu.memory_space<hbm>>
      tpu.wait_dma2 semaphore(%run_scoped3A : memref<!tpu.dma_semaphore, #tpu.memory_space<semaphore_mem>>) src(%dma_wait3A_63 : memref<125x80xi32, #tpu.memory_space<hbm>>) dst(%arg7 : memref<125x80xi32, #tpu.memory_space<vmem>>)
      tpu.yield
    }) : () -> ()
    "tpu.region"() ({
      %run_scoped3A = tpu.sem_alloc : memref<!tpu.dma_semaphore, #tpu.memory_space<semaphore_mem>>
      %dma_start3A_49 = arith.constant 0 : i32
      %dma_start3A_50 = arith.constant 0 : i32
      %dma_start3A_51 = tpu.memref_slice %arg4[%add3A, %dma_start3A_49, %dma_start3A_50] : memref<32x125x80xi32, #tpu.memory_space<hbm>> -> memref<1x125x80xi32, #tpu.memory_space<hbm>>
      %dma_start3A_52 = tpu.memref_squeeze %dma_start3A_51 : memref<1x125x80xi32, #tpu.memory_space<hbm>> -> memref<125x80xi32, #tpu.memory_space<hbm>>
      %dma_start3A_53 = arith.constant 0 : i32
      %dma_start3A_54 = arith.constant 0 : i32
      %dma_start3A_55 = tpu.memref_slice %arg4[%add3A, %dma_start3A_53, %dma_start3A_54] : memref<32x125x80xi32, #tpu.memory_space<hbm>> -> memref<1x125x80xi32, #tpu.memory_space<hbm>>
      %dma_start3A_56 = tpu.memref_squeeze %dma_start3A_55 : memref<1x125x80xi32, #tpu.memory_space<hbm>> -> memref<125x80xi32, #tpu.memory_space<hbm>>
      tpu.enqueue_dma source(%dma_start3A_56 : memref<125x80xi32, #tpu.memory_space<hbm>>) target(%arg8 : memref<125x80xi32, #tpu.memory_space<vmem>>) target_semaphore(%run_scoped3A : memref<!tpu.dma_semaphore, #tpu.memory_space<semaphore_mem>>)
      %dma_wait3A = arith.constant 0 : i32
      %dma_wait3A_57 = arith.constant 0 : i32
      %dma_wait3A_58 = tpu.memref_slice %arg4[%add3A, %dma_wait3A, %dma_wait3A_57] : memref<32x125x80xi32, #tpu.memory_space<hbm>> -> memref<1x125x80xi32, #tpu.memory_space<hbm>>
      %dma_wait3A_59 = tpu.memref_squeeze %dma_wait3A_58 : memref<1x125x80xi32, #tpu.memory_space<hbm>> -> memref<125x80xi32, #tpu.memory_space<hbm>>
      %dma_wait3A_60 = arith.constant 0 : i32
      %dma_wait3A_61 = arith.constant 0 : i32
      %dma_wait3A_62 = tpu.memref_slice %arg4[%add3A, %dma_wait3A_60, %dma_wait3A_61] : memref<32x125x80xi32, #tpu.memory_space<hbm>> -> memref<1x125x80xi32, #tpu.memory_space<hbm>>
      %dma_wait3A_63 = tpu.memref_squeeze %dma_wait3A_62 : memref<1x125x80xi32, #tpu.memory_space<hbm>> -> memref<125x80xi32, #tpu.memory_space<hbm>>
      tpu.wait_dma2 semaphore(%run_scoped3A : memref<!tpu.dma_semaphore, #tpu.memory_space<semaphore_mem>>) src(%dma_wait3A_63 : memref<125x80xi32, #tpu.memory_space<hbm>>) dst(%arg8 : memref<125x80xi32, #tpu.memory_space<vmem>>)
      tpu.yield
    }) : () -> ()
    %mul3A_1 = arith.constant 640 : i32
    %mul3A_2 = arith.muli %arg1, %mul3A_1 : i32
    %mul3A_3 = arith.constant 640 : i32
    %mul3A_4 = arith.muli %arg1, %mul3A_3 : i32
    "tpu.region"() ({
      %run_scoped3A = tpu.sem_alloc : memref<!tpu.dma_semaphore, #tpu.memory_space<semaphore_mem>>
      %dma_start3A_49 = arith.constant 0 : i32
      %dma_start3A_50 = tpu.memref_slice %arg14[%mul3A_4, %dma_start3A_49] : memref<10240x64xf32, #tpu.memory_space<vmem_shared>> -> memref<640x64xf32, #tpu.memory_space<vmem_shared>>
      %dma_start3A_51 = arith.constant 0 : i32
      %dma_start3A_52 = tpu.memref_slice %arg5[%mul3A_2, %dma_start3A_51] : memref<10240x64xf32, #tpu.memory_space<hbm>> -> memref<640x64xf32, #tpu.memory_space<hbm>>
      tpu.enqueue_dma source(%dma_start3A_52 : memref<640x64xf32, #tpu.memory_space<hbm>>) target(%dma_start3A_50 : memref<640x64xf32, #tpu.memory_space<vmem_shared>>) target_semaphore(%run_scoped3A : memref<!tpu.dma_semaphore, #tpu.memory_space<semaphore_mem>>)
      %dma_wait3A = arith.constant 0 : i32
      %dma_wait3A_53 = tpu.memref_slice %arg14[%mul3A_4, %dma_wait3A] : memref<10240x64xf32, #tpu.memory_space<vmem_shared>> -> memref<640x64xf32, #tpu.memory_space<vmem_shared>>
      %dma_wait3A_54 = arith.constant 0 : i32
      %dma_wait3A_55 = tpu.memref_slice %arg5[%mul3A_2, %dma_wait3A_54] : memref<10240x64xf32, #tpu.memory_space<hbm>> -> memref<640x64xf32, #tpu.memory_space<hbm>>
      tpu.wait_dma2 semaphore(%run_scoped3A : memref<!tpu.dma_semaphore, #tpu.memory_space<semaphore_mem>>) src(%dma_wait3A_55 : memref<640x64xf32, #tpu.memory_space<hbm>>) dst(%dma_wait3A_53 : memref<640x64xf32, #tpu.memory_space<vmem_shared>>)
      tpu.yield
    }) : () -> ()
    %barrier3A = arith.constant 0 : index
    tpu.barrier barrier_id(%barrier3A)
    %dma_start3A = arith.constant 0 : i32
    %dma_start3A_5 = arith.constant 0 : i32
    %dma_start3A_6 = tpu.memref_slice %arg7[%dma_start3A, %dma_start3A_5] : memref<125x80xi32, #tpu.memory_space<vmem>> -> memref<1x80xi32, #tpu.memory_space<vmem>>
    %dma_start3A_7 = tpu.memref_squeeze %dma_start3A_6 : memref<1x80xi32, #tpu.memory_space<vmem>> -> memref<80xi32, #tpu.memory_space<vmem>>
    %dma_start3A_8 = arith.constant 0 : i32
    %dma_start3A_9 = arith.constant 0 : i32
    %dma_start3A_10 = tpu.memref_slice %arg2[%dma_start3A_8, %dma_start3A_9] : memref<10240x64xf32, #tpu.memory_space<hbm>> -> memref<10240x64xf32, #tpu.memory_space<hbm>>
    tpu.enqueue_indirect_dma source(%dma_start3A_10 : memref<10240x64xf32, #tpu.memory_space<hbm>>) target(%arg9 : memref<80x64xf32, #tpu.memory_space<vmem>>) offsets(%dma_start3A_7 : memref<80xi32, #tpu.memory_space<vmem>>) semaphore(%arg15 : memref<!tpu.dma_semaphore, #tpu.memory_space<semaphore_mem>>)
    %dma_start3A_11 = arith.constant 1 : i32
    %dma_start3A_12 = arith.constant 0 : i32
    %dma_start3A_13 = tpu.memref_slice %arg7[%dma_start3A_11, %dma_start3A_12] : memref<125x80xi32, #tpu.memory_space<vmem>> -> memref<1x80xi32, #tpu.memory_space<vmem>>
    %dma_start3A_14 = tpu.memref_squeeze %dma_start3A_13 : memref<1x80xi32, #tpu.memory_space<vmem>> -> memref<80xi32, #tpu.memory_space<vmem>>
    %dma_start3A_15 = arith.constant 0 : i32
    %dma_start3A_16 = arith.constant 0 : i32
    %dma_start3A_17 = tpu.memref_slice %arg2[%dma_start3A_15, %dma_start3A_16] : memref<10240x64xf32, #tpu.memory_space<hbm>> -> memref<10240x64xf32, #tpu.memory_space<hbm>>
    tpu.enqueue_indirect_dma source(%dma_start3A_17 : memref<10240x64xf32, #tpu.memory_space<hbm>>) target(%arg10 : memref<80x64xf32, #tpu.memory_space<vmem>>) offsets(%dma_start3A_14 : memref<80xi32, #tpu.memory_space<vmem>>) semaphore(%arg16 : memref<!tpu.dma_semaphore, #tpu.memory_space<semaphore_mem>>)
    %dma_start3A_18 = arith.constant 2 : i32
    %dma_start3A_19 = arith.constant 0 : i32
    %dma_start3A_20 = tpu.memref_slice %arg7[%dma_start3A_18, %dma_start3A_19] : memref<125x80xi32, #tpu.memory_space<vmem>> -> memref<1x80xi32, #tpu.memory_space<vmem>>
    %dma_start3A_21 = tpu.memref_squeeze %dma_start3A_20 : memref<1x80xi32, #tpu.memory_space<vmem>> -> memref<80xi32, #tpu.memory_space<vmem>>
    %dma_start3A_22 = arith.constant 0 : i32
    %dma_start3A_23 = arith.constant 0 : i32
    %dma_start3A_24 = tpu.memref_slice %arg2[%dma_start3A_22, %dma_start3A_23] : memref<10240x64xf32, #tpu.memory_space<hbm>> -> memref<10240x64xf32, #tpu.memory_space<hbm>>
    tpu.enqueue_indirect_dma source(%dma_start3A_24 : memref<10240x64xf32, #tpu.memory_space<hbm>>) target(%arg11 : memref<80x64xf32, #tpu.memory_space<vmem>>) offsets(%dma_start3A_21 : memref<80xi32, #tpu.memory_space<vmem>>) semaphore(%arg17 : memref<!tpu.dma_semaphore, #tpu.memory_space<semaphore_mem>>)
    %dma_start3A_25 = arith.constant 3 : i32
    %dma_start3A_26 = arith.constant 0 : i32
    %dma_start3A_27 = tpu.memref_slice %arg7[%dma_start3A_25, %dma_start3A_26] : memref<125x80xi32, #tpu.memory_space<vmem>> -> memref<1x80xi32, #tpu.memory_space<vmem>>
    %dma_start3A_28 = tpu.memref_squeeze %dma_start3A_27 : memref<1x80xi32, #tpu.memory_space<vmem>> -> memref<80xi32, #tpu.memory_space<vmem>>
    %dma_start3A_29 = arith.constant 0 : i32
    %dma_start3A_30 = arith.constant 0 : i32
    %dma_start3A_31 = tpu.memref_slice %arg2[%dma_start3A_29, %dma_start3A_30] : memref<10240x64xf32, #tpu.memory_space<hbm>> -> memref<10240x64xf32, #tpu.memory_space<hbm>>
    tpu.enqueue_indirect_dma source(%dma_start3A_31 : memref<10240x64xf32, #tpu.memory_space<hbm>>) target(%arg12 : memref<80x64xf32, #tpu.memory_space<vmem>>) offsets(%dma_start3A_28 : memref<80xi32, #tpu.memory_space<vmem>>) semaphore(%arg18 : memref<!tpu.dma_semaphore, #tpu.memory_space<semaphore_mem>>)
    %dma_start3A_32 = arith.constant 4 : i32
    %dma_start3A_33 = arith.constant 0 : i32
    %dma_start3A_34 = tpu.memref_slice %arg7[%dma_start3A_32, %dma_start3A_33] : memref<125x80xi32, #tpu.memory_space<vmem>> -> memref<1x80xi32, #tpu.memory_space<vmem>>
    %dma_start3A_35 = tpu.memref_squeeze %dma_start3A_34 : memref<1x80xi32, #tpu.memory_space<vmem>> -> memref<80xi32, #tpu.memory_space<vmem>>
    %dma_start3A_36 = arith.constant 0 : i32
    %dma_start3A_37 = arith.constant 0 : i32
    %dma_start3A_38 = tpu.memref_slice %arg2[%dma_start3A_36, %dma_start3A_37] : memref<10240x64xf32, #tpu.memory_space<hbm>> -> memref<10240x64xf32, #tpu.memory_space<hbm>>
    tpu.enqueue_indirect_dma source(%dma_start3A_38 : memref<10240x64xf32, #tpu.memory_space<hbm>>) target(%arg13 : memref<80x64xf32, #tpu.memory_space<vmem>>) offsets(%dma_start3A_35 : memref<80xi32, #tpu.memory_space<vmem>>) semaphore(%arg19 : memref<!tpu.dma_semaphore, #tpu.memory_space<semaphore_mem>>)
    %scan3A = arith.constant 0 : i32
    %scan3A_39 = arith.constant 0 : i32
    %scan3A_40 = arith.constant 25 : i32
    %scan3A_41 = arith.addi %scan3A_39, %scan3A_40 : i32
    %scan3A_42 = arith.constant 1 : i32
    scf.for %scan3A_49 = %scan3A_39 to %scan3A_41 step %scan3A_42  : i32 {
      %mul3A_50 = arith.constant 5 : i32
      %mul3A_51 = arith.muli %scan3A_49, %mul3A_50 : i32
      %add3A_52 = arith.constant 0 : i32
      %add3A_53 = arith.addi %mul3A_51, %add3A_52 : i32
      %dma_wait3A = arith.constant 0 : i32
      %dma_wait3A_54 = tpu.memref_slice %arg7[%add3A_53, %dma_wait3A] : memref<125x80xi32, #tpu.memory_space<vmem>> -> memref<1x80xi32, #tpu.memory_space<vmem>>
      %dma_wait3A_55 = tpu.memref_squeeze %dma_wait3A_54 : memref<1x80xi32, #tpu.memory_space<vmem>> -> memref<80xi32, #tpu.memory_space<vmem>>
      %dma_wait3A_56 = arith.constant 0 : i32
      %dma_wait3A_57 = arith.constant 0 : i32
      %dma_wait3A_58 = tpu.memref_slice %arg2[%dma_wait3A_56, %dma_wait3A_57] : memref<10240x64xf32, #tpu.memory_space<hbm>> -> memref<10240x64xf32, #tpu.memory_space<hbm>>
      tpu.wait_indirect_dma semaphore(%arg15 : memref<!tpu.dma_semaphore, #tpu.memory_space<semaphore_mem>>) src(%dma_wait3A_58 : memref<10240x64xf32, #tpu.memory_space<hbm>>) dst(%arg9 : memref<80x64xf32, #tpu.memory_space<vmem>>)
      "tpu.region"() ({
        %run_scoped3A = tpu.sem_alloc : memref<!tpu.dma_semaphore, #tpu.memory_space<semaphore_mem>>
        %dma_start3A_123 = arith.constant 0 : i32
        %dma_start3A_124 = tpu.memref_slice %arg8[%add3A_53, %dma_start3A_123] : memref<125x80xi32, #tpu.memory_space<vmem>> -> memref<1x80xi32, #tpu.memory_space<vmem>>
        %dma_start3A_125 = tpu.memref_squeeze %dma_start3A_124 : memref<1x80xi32, #tpu.memory_space<vmem>> -> memref<80xi32, #tpu.memory_space<vmem>>
        %dma_start3A_126 = arith.constant 0 : i32
        %dma_start3A_127 = arith.constant 0 : i32
        %dma_start3A_128 = tpu.memref_slice %arg14[%dma_start3A_126, %dma_start3A_127] : memref<10240x64xf32, #tpu.memory_space<vmem_shared>> -> memref<10240x64xf32, #tpu.memory_space<vmem_shared>>
        tpu.enqueue_indirect_dma source(%arg9 : memref<80x64xf32, #tpu.memory_space<vmem>>) target(%dma_start3A_128 : memref<10240x64xf32, #tpu.memory_space<vmem_shared>>) offsets(%dma_start3A_125 : memref<80xi32, #tpu.memory_space<vmem>>) semaphore(%run_scoped3A : memref<!tpu.dma_semaphore, #tpu.memory_space<semaphore_mem>>) {add = true}
        %dma_wait3A_129 = arith.constant 0 : i32
        %dma_wait3A_130 = tpu.memref_slice %arg8[%add3A_53, %dma_wait3A_129] : memref<125x80xi32, #tpu.memory_space<vmem>> -> memref<1x80xi32, #tpu.memory_space<vmem>>
        %dma_wait3A_131 = tpu.memref_squeeze %dma_wait3A_130 : memref<1x80xi32, #tpu.memory_space<vmem>> -> memref<80xi32, #tpu.memory_space<vmem>>
        %dma_wait3A_132 = arith.constant 0 : i32
        %dma_wait3A_133 = arith.constant 0 : i32
        %dma_wait3A_134 = tpu.memref_slice %arg14[%dma_wait3A_132, %dma_wait3A_133] : memref<10240x64xf32, #tpu.memory_space<vmem_shared>> -> memref<10240x64xf32, #tpu.memory_space<vmem_shared>>
        tpu.wait_indirect_dma semaphore(%run_scoped3A : memref<!tpu.dma_semaphore, #tpu.memory_space<semaphore_mem>>) src(%arg9 : memref<80x64xf32, #tpu.memory_space<vmem>>) dst(%dma_wait3A_134 : memref<10240x64xf32, #tpu.memory_space<vmem_shared>>)
        tpu.yield
      }) : () -> ()
      %add3A_59 = arith.constant 5 : i32
      %add3A_60 = arith.addi %add3A_53, %add3A_59 : i32
      %lt3A = arith.constant 125 : i32
      %lt3A_61 = arith.cmpi slt, %add3A_60, %lt3A : i32
      %convert_element_type3A = arith.extui %lt3A_61 : i1 to i32
      %cond3A = arith.constant 0 : i32
      %cond3A_62 = arith.cmpi ne, %convert_element_type3A, %cond3A : i32
      scf.if %cond3A_62 {
        %add3A_123 = arith.constant 5 : i32
        %add3A_124 = arith.addi %add3A_53, %add3A_123 : i32
        %dma_start3A_125 = arith.constant 0 : i32
        %dma_start3A_126 = tpu.memref_slice %arg7[%add3A_124, %dma_start3A_125] : memref<125x80xi32, #tpu.memory_space<vmem>> -> memref<1x80xi32, #tpu.memory_space<vmem>>
        %dma_start3A_127 = tpu.memref_squeeze %dma_start3A_126 : memref<1x80xi32, #tpu.memory_space<vmem>> -> memref<80xi32, #tpu.memory_space<vmem>>
        %dma_start3A_128 = arith.constant 0 : i32
        %dma_start3A_129 = arith.constant 0 : i32
        %dma_start3A_130 = tpu.memref_slice %arg2[%dma_start3A_128, %dma_start3A_129] : memref<10240x64xf32, #tpu.memory_space<hbm>> -> memref<10240x64xf32, #tpu.memory_space<hbm>>
        tpu.enqueue_indirect_dma source(%dma_start3A_130 : memref<10240x64xf32, #tpu.memory_space<hbm>>) target(%arg9 : memref<80x64xf32, #tpu.memory_space<vmem>>) offsets(%dma_start3A_127 : memref<80xi32, #tpu.memory_space<vmem>>) semaphore(%arg15 : memref<!tpu.dma_semaphore, #tpu.memory_space<semaphore_mem>>)
      } else {
      }
      %add3A_63 = arith.constant 1 : i32
      %add3A_64 = arith.addi %mul3A_51, %add3A_63 : i32
      %dma_wait3A_65 = arith.constant 0 : i32
      %dma_wait3A_66 = tpu.memref_slice %arg7[%add3A_64, %dma_wait3A_65] : memref<125x80xi32, #tpu.memory_space<vmem>> -> memref<1x80xi32, #tpu.memory_space<vmem>>
      %dma_wait3A_67 = tpu.memref_squeeze %dma_wait3A_66 : memref<1x80xi32, #tpu.memory_space<vmem>> -> memref<80xi32, #tpu.memory_space<vmem>>
      %dma_wait3A_68 = arith.constant 0 : i32
      %dma_wait3A_69 = arith.constant 0 : i32
      %dma_wait3A_70 = tpu.memref_slice %arg2[%dma_wait3A_68, %dma_wait3A_69] : memref<10240x64xf32, #tpu.memory_space<hbm>> -> memref<10240x64xf32, #tpu.memory_space<hbm>>
      tpu.wait_indirect_dma semaphore(%arg16 : memref<!tpu.dma_semaphore, #tpu.memory_space<semaphore_mem>>) src(%dma_wait3A_70 : memref<10240x64xf32, #tpu.memory_space<hbm>>) dst(%arg10 : memref<80x64xf32, #tpu.memory_space<vmem>>)
      "tpu.region"() ({
        %run_scoped3A = tpu.sem_alloc : memref<!tpu.dma_semaphore, #tpu.memory_space<semaphore_mem>>
        %dma_start3A_123 = arith.constant 0 : i32
        %dma_start3A_124 = tpu.memref_slice %arg8[%add3A_64, %dma_start3A_123] : memref<125x80xi32, #tpu.memory_space<vmem>> -> memref<1x80xi32, #tpu.memory_space<vmem>>
        %dma_start3A_125 = tpu.memref_squeeze %dma_start3A_124 : memref<1x80xi32, #tpu.memory_space<vmem>> -> memref<80xi32, #tpu.memory_space<vmem>>
        %dma_start3A_126 = arith.constant 0 : i32
        %dma_start3A_127 = arith.constant 0 : i32
        %dma_start3A_128 = tpu.memref_slice %arg14[%dma_start3A_126, %dma_start3A_127] : memref<10240x64xf32, #tpu.memory_space<vmem_shared>> -> memref<10240x64xf32, #tpu.memory_space<vmem_shared>>
        tpu.enqueue_indirect_dma source(%arg10 : memref<80x64xf32, #tpu.memory_space<vmem>>) target(%dma_start3A_128 : memref<10240x64xf32, #tpu.memory_space<vmem_shared>>) offsets(%dma_start3A_125 : memref<80xi32, #tpu.memory_space<vmem>>) semaphore(%run_scoped3A : memref<!tpu.dma_semaphore, #tpu.memory_space<semaphore_mem>>) {add = true}
        %dma_wait3A_129 = arith.constant 0 : i32
        %dma_wait3A_130 = tpu.memref_slice %arg8[%add3A_64, %dma_wait3A_129] : memref<125x80xi32, #tpu.memory_space<vmem>> -> memref<1x80xi32, #tpu.memory_space<vmem>>
        %dma_wait3A_131 = tpu.memref_squeeze %dma_wait3A_130 : memref<1x80xi32, #tpu.memory_space<vmem>> -> memref<80xi32, #tpu.memory_space<vmem>>
        %dma_wait3A_132 = arith.constant 0 : i32
        %dma_wait3A_133 = arith.constant 0 : i32
        %dma_wait3A_134 = tpu.memref_slice %arg14[%dma_wait3A_132, %dma_wait3A_133] : memref<10240x64xf32, #tpu.memory_space<vmem_shared>> -> memref<10240x64xf32, #tpu.memory_space<vmem_shared>>
        tpu.wait_indirect_dma semaphore(%run_scoped3A : memref<!tpu.dma_semaphore, #tpu.memory_space<semaphore_mem>>) src(%arg10 : memref<80x64xf32, #tpu.memory_space<vmem>>) dst(%dma_wait3A_134 : memref<10240x64xf32, #tpu.memory_space<vmem_shared>>)
        tpu.yield
      }) : () -> ()
      %add3A_71 = arith.constant 5 : i32
      %add3A_72 = arith.addi %add3A_64, %add3A_71 : i32
      %lt3A_73 = arith.constant 125 : i32
      %lt3A_74 = arith.cmpi slt, %add3A_72, %lt3A_73 : i32
      %convert_element_type3A_75 = arith.extui %lt3A_74 : i1 to i32
      %cond3A_76 = arith.constant 0 : i32
      %cond3A_77 = arith.cmpi ne, %convert_element_type3A_75, %cond3A_76 : i32
      scf.if %cond3A_77 {
        %add3A_123 = arith.constant 5 : i32
        %add3A_124 = arith.addi %add3A_64, %add3A_123 : i32
        %dma_start3A_125 = arith.constant 0 : i32
        %dma_start3A_126 = tpu.memref_slice %arg7[%add3A_124, %dma_start3A_125] : memref<125x80xi32, #tpu.memory_space<vmem>> -> memref<1x80xi32, #tpu.memory_space<vmem>>
        %dma_start3A_127 = tpu.memref_squeeze %dma_start3A_126 : memref<1x80xi32, #tpu.memory_space<vmem>> -> memref<80xi32, #tpu.memory_space<vmem>>
        %dma_start3A_128 = arith.constant 0 : i32
        %dma_start3A_129 = arith.constant 0 : i32
        %dma_start3A_130 = tpu.memref_slice %arg2[%dma_start3A_128, %dma_start3A_129] : memref<10240x64xf32, #tpu.memory_space<hbm>> -> memref<10240x64xf32, #tpu.memory_space<hbm>>
        tpu.enqueue_indirect_dma source(%dma_start3A_130 : memref<10240x64xf32, #tpu.memory_space<hbm>>) target(%arg10 : memref<80x64xf32, #tpu.memory_space<vmem>>) offsets(%dma_start3A_127 : memref<80xi32, #tpu.memory_space<vmem>>) semaphore(%arg16 : memref<!tpu.dma_semaphore, #tpu.memory_space<semaphore_mem>>)
      } else {
      }
      %add3A_78 = arith.constant 2 : i32
      %add3A_79 = arith.addi %mul3A_51, %add3A_78 : i32
      %dma_wait3A_80 = arith.constant 0 : i32
      %dma_wait3A_81 = tpu.memref_slice %arg7[%add3A_79, %dma_wait3A_80] : memref<125x80xi32, #tpu.memory_space<vmem>> -> memref<1x80xi32, #tpu.memory_space<vmem>>
      %dma_wait3A_82 = tpu.memref_squeeze %dma_wait3A_81 : memref<1x80xi32, #tpu.memory_space<vmem>> -> memref<80xi32, #tpu.memory_space<vmem>>
      %dma_wait3A_83 = arith.constant 0 : i32
      %dma_wait3A_84 = arith.constant 0 : i32
      %dma_wait3A_85 = tpu.memref_slice %arg2[%dma_wait3A_83, %dma_wait3A_84] : memref<10240x64xf32, #tpu.memory_space<hbm>> -> memref<10240x64xf32, #tpu.memory_space<hbm>>
      tpu.wait_indirect_dma semaphore(%arg17 : memref<!tpu.dma_semaphore, #tpu.memory_space<semaphore_mem>>) src(%dma_wait3A_85 : memref<10240x64xf32, #tpu.memory_space<hbm>>) dst(%arg11 : memref<80x64xf32, #tpu.memory_space<vmem>>)
      "tpu.region"() ({
        %run_scoped3A = tpu.sem_alloc : memref<!tpu.dma_semaphore, #tpu.memory_space<semaphore_mem>>
        %dma_start3A_123 = arith.constant 0 : i32
        %dma_start3A_124 = tpu.memref_slice %arg8[%add3A_79, %dma_start3A_123] : memref<125x80xi32, #tpu.memory_space<vmem>> -> memref<1x80xi32, #tpu.memory_space<vmem>>
        %dma_start3A_125 = tpu.memref_squeeze %dma_start3A_124 : memref<1x80xi32, #tpu.memory_space<vmem>> -> memref<80xi32, #tpu.memory_space<vmem>>
        %dma_start3A_126 = arith.constant 0 : i32
        %dma_start3A_127 = arith.constant 0 : i32
        %dma_start3A_128 = tpu.memref_slice %arg14[%dma_start3A_126, %dma_start3A_127] : memref<10240x64xf32, #tpu.memory_space<vmem_shared>> -> memref<10240x64xf32, #tpu.memory_space<vmem_shared>>
        tpu.enqueue_indirect_dma source(%arg11 : memref<80x64xf32, #tpu.memory_space<vmem>>) target(%dma_start3A_128 : memref<10240x64xf32, #tpu.memory_space<vmem_shared>>) offsets(%dma_start3A_125 : memref<80xi32, #tpu.memory_space<vmem>>) semaphore(%run_scoped3A : memref<!tpu.dma_semaphore, #tpu.memory_space<semaphore_mem>>) {add = true}
        %dma_wait3A_129 = arith.constant 0 : i32
        %dma_wait3A_130 = tpu.memref_slice %arg8[%add3A_79, %dma_wait3A_129] : memref<125x80xi32, #tpu.memory_space<vmem>> -> memref<1x80xi32, #tpu.memory_space<vmem>>
        %dma_wait3A_131 = tpu.memref_squeeze %dma_wait3A_130 : memref<1x80xi32, #tpu.memory_space<vmem>> -> memref<80xi32, #tpu.memory_space<vmem>>
        %dma_wait3A_132 = arith.constant 0 : i32
        %dma_wait3A_133 = arith.constant 0 : i32
        %dma_wait3A_134 = tpu.memref_slice %arg14[%dma_wait3A_132, %dma_wait3A_133] : memref<10240x64xf32, #tpu.memory_space<vmem_shared>> -> memref<10240x64xf32, #tpu.memory_space<vmem_shared>>
        tpu.wait_indirect_dma semaphore(%run_scoped3A : memref<!tpu.dma_semaphore, #tpu.memory_space<semaphore_mem>>) src(%arg11 : memref<80x64xf32, #tpu.memory_space<vmem>>) dst(%dma_wait3A_134 : memref<10240x64xf32, #tpu.memory_space<vmem_shared>>)
        tpu.yield
      }) : () -> ()
      %add3A_86 = arith.constant 5 : i32
      %add3A_87 = arith.addi %add3A_79, %add3A_86 : i32
      %lt3A_88 = arith.constant 125 : i32
      %lt3A_89 = arith.cmpi slt, %add3A_87, %lt3A_88 : i32
      %convert_element_type3A_90 = arith.extui %lt3A_89 : i1 to i32
      %cond3A_91 = arith.constant 0 : i32
      %cond3A_92 = arith.cmpi ne, %convert_element_type3A_90, %cond3A_91 : i32
      scf.if %cond3A_92 {
        %add3A_123 = arith.constant 5 : i32
        %add3A_124 = arith.addi %add3A_79, %add3A_123 : i32
        %dma_start3A_125 = arith.constant 0 : i32
        %dma_start3A_126 = tpu.memref_slice %arg7[%add3A_124, %dma_start3A_125] : memref<125x80xi32, #tpu.memory_space<vmem>> -> memref<1x80xi32, #tpu.memory_space<vmem>>
        %dma_start3A_127 = tpu.memref_squeeze %dma_start3A_126 : memref<1x80xi32, #tpu.memory_space<vmem>> -> memref<80xi32, #tpu.memory_space<vmem>>
        %dma_start3A_128 = arith.constant 0 : i32
        %dma_start3A_129 = arith.constant 0 : i32
        %dma_start3A_130 = tpu.memref_slice %arg2[%dma_start3A_128, %dma_start3A_129] : memref<10240x64xf32, #tpu.memory_space<hbm>> -> memref<10240x64xf32, #tpu.memory_space<hbm>>
        tpu.enqueue_indirect_dma source(%dma_start3A_130 : memref<10240x64xf32, #tpu.memory_space<hbm>>) target(%arg11 : memref<80x64xf32, #tpu.memory_space<vmem>>) offsets(%dma_start3A_127 : memref<80xi32, #tpu.memory_space<vmem>>) semaphore(%arg17 : memref<!tpu.dma_semaphore, #tpu.memory_space<semaphore_mem>>)
      } else {
      }
      %add3A_93 = arith.constant 3 : i32
      %add3A_94 = arith.addi %mul3A_51, %add3A_93 : i32
      %dma_wait3A_95 = arith.constant 0 : i32
      %dma_wait3A_96 = tpu.memref_slice %arg7[%add3A_94, %dma_wait3A_95] : memref<125x80xi32, #tpu.memory_space<vmem>> -> memref<1x80xi32, #tpu.memory_space<vmem>>
      %dma_wait3A_97 = tpu.memref_squeeze %dma_wait3A_96 : memref<1x80xi32, #tpu.memory_space<vmem>> -> memref<80xi32, #tpu.memory_space<vmem>>
      %dma_wait3A_98 = arith.constant 0 : i32
      %dma_wait3A_99 = arith.constant 0 : i32
      %dma_wait3A_100 = tpu.memref_slice %arg2[%dma_wait3A_98, %dma_wait3A_99] : memref<10240x64xf32, #tpu.memory_space<hbm>> -> memref<10240x64xf32, #tpu.memory_space<hbm>>
      tpu.wait_indirect_dma semaphore(%arg18 : memref<!tpu.dma_semaphore, #tpu.memory_space<semaphore_mem>>) src(%dma_wait3A_100 : memref<10240x64xf32, #tpu.memory_space<hbm>>) dst(%arg12 : memref<80x64xf32, #tpu.memory_space<vmem>>)
      "tpu.region"() ({
        %run_scoped3A = tpu.sem_alloc : memref<!tpu.dma_semaphore, #tpu.memory_space<semaphore_mem>>
        %dma_start3A_123 = arith.constant 0 : i32
        %dma_start3A_124 = tpu.memref_slice %arg8[%add3A_94, %dma_start3A_123] : memref<125x80xi32, #tpu.memory_space<vmem>> -> memref<1x80xi32, #tpu.memory_space<vmem>>
        %dma_start3A_125 = tpu.memref_squeeze %dma_start3A_124 : memref<1x80xi32, #tpu.memory_space<vmem>> -> memref<80xi32, #tpu.memory_space<vmem>>
        %dma_start3A_126 = arith.constant 0 : i32
        %dma_start3A_127 = arith.constant 0 : i32
        %dma_start3A_128 = tpu.memref_slice %arg14[%dma_start3A_126, %dma_start3A_127] : memref<10240x64xf32, #tpu.memory_space<vmem_shared>> -> memref<10240x64xf32, #tpu.memory_space<vmem_shared>>
        tpu.enqueue_indirect_dma source(%arg12 : memref<80x64xf32, #tpu.memory_space<vmem>>) target(%dma_start3A_128 : memref<10240x64xf32, #tpu.memory_space<vmem_shared>>) offsets(%dma_start3A_125 : memref<80xi32, #tpu.memory_space<vmem>>) semaphore(%run_scoped3A : memref<!tpu.dma_semaphore, #tpu.memory_space<semaphore_mem>>) {add = true}
        %dma_wait3A_129 = arith.constant 0 : i32
        %dma_wait3A_130 = tpu.memref_slice %arg8[%add3A_94, %dma_wait3A_129] : memref<125x80xi32, #tpu.memory_space<vmem>> -> memref<1x80xi32, #tpu.memory_space<vmem>>
        %dma_wait3A_131 = tpu.memref_squeeze %dma_wait3A_130 : memref<1x80xi32, #tpu.memory_space<vmem>> -> memref<80xi32, #tpu.memory_space<vmem>>
        %dma_wait3A_132 = arith.constant 0 : i32
        %dma_wait3A_133 = arith.constant 0 : i32
        %dma_wait3A_134 = tpu.memref_slice %arg14[%dma_wait3A_132, %dma_wait3A_133] : memref<10240x64xf32, #tpu.memory_space<vmem_shared>> -> memref<10240x64xf32, #tpu.memory_space<vmem_shared>>
        tpu.wait_indirect_dma semaphore(%run_scoped3A : memref<!tpu.dma_semaphore, #tpu.memory_space<semaphore_mem>>) src(%arg12 : memref<80x64xf32, #tpu.memory_space<vmem>>) dst(%dma_wait3A_134 : memref<10240x64xf32, #tpu.memory_space<vmem_shared>>)
        tpu.yield
      }) : () -> ()
      %add3A_101 = arith.constant 5 : i32
      %add3A_102 = arith.addi %add3A_94, %add3A_101 : i32
      %lt3A_103 = arith.constant 125 : i32
      %lt3A_104 = arith.cmpi slt, %add3A_102, %lt3A_103 : i32
      %convert_element_type3A_105 = arith.extui %lt3A_104 : i1 to i32
      %cond3A_106 = arith.constant 0 : i32
      %cond3A_107 = arith.cmpi ne, %convert_element_type3A_105, %cond3A_106 : i32
      scf.if %cond3A_107 {
        %add3A_123 = arith.constant 5 : i32
        %add3A_124 = arith.addi %add3A_94, %add3A_123 : i32
        %dma_start3A_125 = arith.constant 0 : i32
        %dma_start3A_126 = tpu.memref_slice %arg7[%add3A_124, %dma_start3A_125] : memref<125x80xi32, #tpu.memory_space<vmem>> -> memref<1x80xi32, #tpu.memory_space<vmem>>
        %dma_start3A_127 = tpu.memref_squeeze %dma_start3A_126 : memref<1x80xi32, #tpu.memory_space<vmem>> -> memref<80xi32, #tpu.memory_space<vmem>>
        %dma_start3A_128 = arith.constant 0 : i32
        %dma_start3A_129 = arith.constant 0 : i32
        %dma_start3A_130 = tpu.memref_slice %arg2[%dma_start3A_128, %dma_start3A_129] : memref<10240x64xf32, #tpu.memory_space<hbm>> -> memref<10240x64xf32, #tpu.memory_space<hbm>>
        tpu.enqueue_indirect_dma source(%dma_start3A_130 : memref<10240x64xf32, #tpu.memory_space<hbm>>) target(%arg12 : memref<80x64xf32, #tpu.memory_space<vmem>>) offsets(%dma_start3A_127 : memref<80xi32, #tpu.memory_space<vmem>>) semaphore(%arg18 : memref<!tpu.dma_semaphore, #tpu.memory_space<semaphore_mem>>)
      } else {
      }
      %add3A_108 = arith.constant 4 : i32
      %add3A_109 = arith.addi %mul3A_51, %add3A_108 : i32
      %dma_wait3A_110 = arith.constant 0 : i32
      %dma_wait3A_111 = tpu.memref_slice %arg7[%add3A_109, %dma_wait3A_110] : memref<125x80xi32, #tpu.memory_space<vmem>> -> memref<1x80xi32, #tpu.memory_space<vmem>>
      %dma_wait3A_112 = tpu.memref_squeeze %dma_wait3A_111 : memref<1x80xi32, #tpu.memory_space<vmem>> -> memref<80xi32, #tpu.memory_space<vmem>>
      %dma_wait3A_113 = arith.constant 0 : i32
      %dma_wait3A_114 = arith.constant 0 : i32
      %dma_wait3A_115 = tpu.memref_slice %arg2[%dma_wait3A_113, %dma_wait3A_114] : memref<10240x64xf32, #tpu.memory_space<hbm>> -> memref<10240x64xf32, #tpu.memory_space<hbm>>
      tpu.wait_indirect_dma semaphore(%arg19 : memref<!tpu.dma_semaphore, #tpu.memory_space<semaphore_mem>>) src(%dma_wait3A_115 : memref<10240x64xf32, #tpu.memory_space<hbm>>) dst(%arg13 : memref<80x64xf32, #tpu.memory_space<vmem>>)
      "tpu.region"() ({
        %run_scoped3A = tpu.sem_alloc : memref<!tpu.dma_semaphore, #tpu.memory_space<semaphore_mem>>
        %dma_start3A_123 = arith.constant 0 : i32
        %dma_start3A_124 = tpu.memref_slice %arg8[%add3A_109, %dma_start3A_123] : memref<125x80xi32, #tpu.memory_space<vmem>> -> memref<1x80xi32, #tpu.memory_space<vmem>>
        %dma_start3A_125 = tpu.memref_squeeze %dma_start3A_124 : memref<1x80xi32, #tpu.memory_space<vmem>> -> memref<80xi32, #tpu.memory_space<vmem>>
        %dma_start3A_126 = arith.constant 0 : i32
        %dma_start3A_127 = arith.constant 0 : i32
        %dma_start3A_128 = tpu.memref_slice %arg14[%dma_start3A_126, %dma_start3A_127] : memref<10240x64xf32, #tpu.memory_space<vmem_shared>> -> memref<10240x64xf32, #tpu.memory_space<vmem_shared>>
        tpu.enqueue_indirect_dma source(%arg13 : memref<80x64xf32, #tpu.memory_space<vmem>>) target(%dma_start3A_128 : memref<10240x64xf32, #tpu.memory_space<vmem_shared>>) offsets(%dma_start3A_125 : memref<80xi32, #tpu.memory_space<vmem>>) semaphore(%run_scoped3A : memref<!tpu.dma_semaphore, #tpu.memory_space<semaphore_mem>>) {add = true}
        %dma_wait3A_129 = arith.constant 0 : i32
        %dma_wait3A_130 = tpu.memref_slice %arg8[%add3A_109, %dma_wait3A_129] : memref<125x80xi32, #tpu.memory_space<vmem>> -> memref<1x80xi32, #tpu.memory_space<vmem>>
        %dma_wait3A_131 = tpu.memref_squeeze %dma_wait3A_130 : memref<1x80xi32, #tpu.memory_space<vmem>> -> memref<80xi32, #tpu.memory_space<vmem>>
        %dma_wait3A_132 = arith.constant 0 : i32
        %dma_wait3A_133 = arith.constant 0 : i32
        %dma_wait3A_134 = tpu.memref_slice %arg14[%dma_wait3A_132, %dma_wait3A_133] : memref<10240x64xf32, #tpu.memory_space<vmem_shared>> -> memref<10240x64xf32, #tpu.memory_space<vmem_shared>>
        tpu.wait_indirect_dma semaphore(%run_scoped3A : memref<!tpu.dma_semaphore, #tpu.memory_space<semaphore_mem>>) src(%arg13 : memref<80x64xf32, #tpu.memory_space<vmem>>) dst(%dma_wait3A_134 : memref<10240x64xf32, #tpu.memory_space<vmem_shared>>)
        tpu.yield
      }) : () -> ()
      %add3A_116 = arith.constant 5 : i32
      %add3A_117 = arith.addi %add3A_109, %add3A_116 : i32
      %lt3A_118 = arith.constant 125 : i32
      %lt3A_119 = arith.cmpi slt, %add3A_117, %lt3A_118 : i32
      %convert_element_type3A_120 = arith.extui %lt3A_119 : i1 to i32
      %cond3A_121 = arith.constant 0 : i32
      %cond3A_122 = arith.cmpi ne, %convert_element_type3A_120, %cond3A_121 : i32
      scf.if %cond3A_122 {
        %add3A_123 = arith.constant 5 : i32
        %add3A_124 = arith.addi %add3A_109, %add3A_123 : i32
        %dma_start3A_125 = arith.constant 0 : i32
        %dma_start3A_126 = tpu.memref_slice %arg7[%add3A_124, %dma_start3A_125] : memref<125x80xi32, #tpu.memory_space<vmem>> -> memref<1x80xi32, #tpu.memory_space<vmem>>
        %dma_start3A_127 = tpu.memref_squeeze %dma_start3A_126 : memref<1x80xi32, #tpu.memory_space<vmem>> -> memref<80xi32, #tpu.memory_space<vmem>>
        %dma_start3A_128 = arith.constant 0 : i32
        %dma_start3A_129 = arith.constant 0 : i32
        %dma_start3A_130 = tpu.memref_slice %arg2[%dma_start3A_128, %dma_start3A_129] : memref<10240x64xf32, #tpu.memory_space<hbm>> -> memref<10240x64xf32, #tpu.memory_space<hbm>>
        tpu.enqueue_indirect_dma source(%dma_start3A_130 : memref<10240x64xf32, #tpu.memory_space<hbm>>) target(%arg13 : memref<80x64xf32, #tpu.memory_space<vmem>>) offsets(%dma_start3A_127 : memref<80xi32, #tpu.memory_space<vmem>>) semaphore(%arg19 : memref<!tpu.dma_semaphore, #tpu.memory_space<semaphore_mem>>)
      } else {
      }
    }
    %scan3A_43 = arith.constant 25 : i32
    %barrier3A_44 = arith.constant 0 : index
    tpu.barrier barrier_id(%barrier3A_44)
    %mul3A_45 = arith.constant 640 : i32
    %mul3A_46 = arith.muli %arg1, %mul3A_45 : i32
    %mul3A_47 = arith.constant 640 : i32
    %mul3A_48 = arith.muli %arg1, %mul3A_47 : i32
    "tpu.region"() ({
      %run_scoped3A = tpu.sem_alloc : memref<!tpu.dma_semaphore, #tpu.memory_space<semaphore_mem>>
      %dma_start3A_49 = arith.constant 0 : i32
      %dma_start3A_50 = tpu.memref_slice %arg6[%arg0, %mul3A_48, %dma_start3A_49] : memref<2x10240x64xf32, #tpu.memory_space<hbm>> -> memref<1x640x64xf32, #tpu.memory_space<hbm>>
      %dma_start3A_51 = tpu.memref_squeeze %dma_start3A_50 : memref<1x640x64xf32, #tpu.memory_space<hbm>> -> memref<640x64xf32, #tpu.memory_space<hbm>>
      %dma_start3A_52 = arith.constant 0 : i32
      %dma_start3A_53 = tpu.memref_slice %arg14[%mul3A_46, %dma_start3A_52] : memref<10240x64xf32, #tpu.memory_space<vmem_shared>> -> memref<640x64xf32, #tpu.memory_space<vmem_shared>>
      tpu.enqueue_dma source(%dma_start3A_53 : memref<640x64xf32, #tpu.memory_space<vmem_shared>>) target(%dma_start3A_51 : memref<640x64xf32, #tpu.memory_space<hbm>>) target_semaphore(%run_scoped3A : memref<!tpu.dma_semaphore, #tpu.memory_space<semaphore_mem>>)
      %dma_wait3A = arith.constant 0 : i32
      %dma_wait3A_54 = tpu.memref_slice %arg6[%arg0, %mul3A_48, %dma_wait3A] : memref<2x10240x64xf32, #tpu.memory_space<hbm>> -> memref<1x640x64xf32, #tpu.memory_space<hbm>>
      %dma_wait3A_55 = tpu.memref_squeeze %dma_wait3A_54 : memref<1x640x64xf32, #tpu.memory_space<hbm>> -> memref<640x64xf32, #tpu.memory_space<hbm>>
      %dma_wait3A_56 = arith.constant 0 : i32
      %dma_wait3A_57 = tpu.memref_slice %arg14[%mul3A_46, %dma_wait3A_56] : memref<10240x64xf32, #tpu.memory_space<vmem_shared>> -> memref<640x64xf32, #tpu.memory_space<vmem_shared>>
      tpu.wait_dma2 semaphore(%run_scoped3A : memref<!tpu.dma_semaphore, #tpu.memory_space<semaphore_mem>>) src(%dma_wait3A_57 : memref<640x64xf32, #tpu.memory_space<vmem_shared>>) dst(%dma_wait3A_55 : memref<640x64xf32, #tpu.memory_space<hbm>>)
      tpu.yield
    }) : () -> ()
    return
  }
}

#map = affine_map<(d0, d1) -> (0, 0)>
#map1 = affine_map<(d0, d1) -> (0, 0, 0)>
module attributes {stable_mosaic.version = 14 : i64} {
  func.func @_agg_kernel(%arg0: i32, %arg1: i32, %arg2: memref<10240x64xf32, #tpu.memory_space<hbm>>, %arg3: memref<32x125x80xi32, #tpu.memory_space<hbm>>, %arg4: memref<32x125x80xi32, #tpu.memory_space<hbm>>, %arg5: memref<10240x64xf32, #tpu.memory_space<hbm>>, %arg6: memref<2x10240x64xf32, #tpu.memory_space<hbm>>, %arg7: memref<125x80xi32, #tpu.memory_space<vmem>>, %arg8: memref<125x80xi32, #tpu.memory_space<vmem>>, %arg9: memref<80x64xf32, #tpu.memory_space<vmem>>, %arg10: memref<80x64xf32, #tpu.memory_space<vmem>>, %arg11: memref<80x64xf32, #tpu.memory_space<vmem>>, %arg12: memref<80x64xf32, #tpu.memory_space<vmem>>, %arg13: memref<80x64xf32, #tpu.memory_space<vmem>>, %arg14: memref<10240x64xf32, #tpu.memory_space<vmem_shared>>, %arg15: memref<!tpu.dma_semaphore, #tpu.memory_space<semaphore_mem>>, %arg16: memref<!tpu.dma_semaphore, #tpu.memory_space<semaphore_mem>>, %arg17: memref<!tpu.dma_semaphore, #tpu.memory_space<semaphore_mem>>, %arg18: memref<!tpu.dma_semaphore, #tpu.memory_space<semaphore_mem>>, %arg19: memref<!tpu.dma_semaphore, #tpu.memory_space<semaphore_mem>>) attributes {dimension_semantics = [#tpu.dimension_semantics<core_parallel>, #tpu.dimension_semantics<subcore_parallel>], iteration_bounds = array<i64: 2, 16>, scalar_prefetch = 0 : i64, scratch_operands = 13 : i64, tpu.core_type = #tpu.core_type<sc_vector_subcore>, window_params = [{transform_indices = #map}, {transform_indices = #map1}, {transform_indices = #map1}, {transform_indices = #map}, {transform_indices = #map1}]} {
    %mul3A = arith.constant 2 : i32
    %mul3A_0 = arith.muli %arg1, %mul3A : i32
    %add3A = arith.addi %mul3A_0, %arg0 : i32
    "tpu.region"() ({
      %run_scoped3A = tpu.sem_alloc : memref<!tpu.dma_semaphore, #tpu.memory_space<semaphore_mem>>
      %dma_start3A_49 = arith.constant 0 : i32
      %dma_start3A_50 = arith.constant 0 : i32
      %dma_start3A_51 = tpu.memref_slice %arg3[%add3A, %dma_start3A_49, %dma_start3A_50] : memref<32x125x80xi32, #tpu.memory_space<hbm>> -> memref<1x125x80xi32, #tpu.memory_space<hbm>>
      %dma_start3A_52 = tpu.memref_squeeze %dma_start3A_51 : memref<1x125x80xi32, #tpu.memory_space<hbm>> -> memref<125x80xi32, #tpu.memory_space<hbm>>
      %dma_start3A_53 = arith.constant 0 : i32
      %dma_start3A_54 = arith.constant 0 : i32
      %dma_start3A_55 = tpu.memref_slice %arg3[%add3A, %dma_start3A_53, %dma_start3A_54] : memref<32x125x80xi32, #tpu.memory_space<hbm>> -> memref<1x125x80xi32, #tpu.memory_space<hbm>>
      %dma_start3A_56 = tpu.memref_squeeze %dma_start3A_55 : memref<1x125x80xi32, #tpu.memory_space<hbm>> -> memref<125x80xi32, #tpu.memory_space<hbm>>
      tpu.enqueue_dma source(%dma_start3A_56 : memref<125x80xi32, #tpu.memory_space<hbm>>) target(%arg7 : memref<125x80xi32, #tpu.memory_space<vmem>>) target_semaphore(%run_scoped3A : memref<!tpu.dma_semaphore, #tpu.memory_space<semaphore_mem>>)
      %dma_wait3A = arith.constant 0 : i32
      %dma_wait3A_57 = arith.constant 0 : i32
      %dma_wait3A_58 = tpu.memref_slice %arg3[%add3A, %dma_wait3A, %dma_wait3A_57] : memref<32x125x80xi32, #tpu.memory_space<hbm>> -> memref<1x125x80xi32, #tpu.memory_space<hbm>>
      %dma_wait3A_59 = tpu.memref_squeeze %dma_wait3A_58 : memref<1x125x80xi32, #tpu.memory_space<hbm>> -> memref<125x80xi32, #tpu.memory_space<hbm>>
      %dma_wait3A_60 = arith.constant 0 : i32
      %dma_wait3A_61 = arith.constant 0 : i32
      %dma_wait3A_62 = tpu.memref_slice %arg3[%add3A, %dma_wait3A_60, %dma_wait3A_61] : memref<32x125x80xi32, #tpu.memory_space<hbm>> -> memref<1x125x80xi32, #tpu.memory_space<hbm>>
      %dma_wait3A_63 = tpu.memref_squeeze %dma_wait3A_62 : memref<1x125x80xi32, #tpu.memory_space<hbm>> -> memref<125x80xi32, #tpu.memory_space<hbm>>
      tpu.wait_dma2 semaphore(%run_scoped3A : memref<!tpu.dma_semaphore, #tpu.memory_space<semaphore_mem>>) src(%dma_wait3A_63 : memref<125x80xi32, #tpu.memory_space<hbm>>) dst(%arg7 : memref<125x80xi32, #tpu.memory_space<vmem>>)
      tpu.yield
    }) : () -> ()
    "tpu.region"() ({
      %run_scoped3A = tpu.sem_alloc : memref<!tpu.dma_semaphore, #tpu.memory_space<semaphore_mem>>
      %dma_start3A_49 = arith.constant 0 : i32
      %dma_start3A_50 = arith.constant 0 : i32
      %dma_start3A_51 = tpu.memref_slice %arg4[%add3A, %dma_start3A_49, %dma_start3A_50] : memref<32x125x80xi32, #tpu.memory_space<hbm>> -> memref<1x125x80xi32, #tpu.memory_space<hbm>>
      %dma_start3A_52 = tpu.memref_squeeze %dma_start3A_51 : memref<1x125x80xi32, #tpu.memory_space<hbm>> -> memref<125x80xi32, #tpu.memory_space<hbm>>
      %dma_start3A_53 = arith.constant 0 : i32
      %dma_start3A_54 = arith.constant 0 : i32
      %dma_start3A_55 = tpu.memref_slice %arg4[%add3A, %dma_start3A_53, %dma_start3A_54] : memref<32x125x80xi32, #tpu.memory_space<hbm>> -> memref<1x125x80xi32, #tpu.memory_space<hbm>>
      %dma_start3A_56 = tpu.memref_squeeze %dma_start3A_55 : memref<1x125x80xi32, #tpu.memory_space<hbm>> -> memref<125x80xi32, #tpu.memory_space<hbm>>
      tpu.enqueue_dma source(%dma_start3A_56 : memref<125x80xi32, #tpu.memory_space<hbm>>) target(%arg8 : memref<125x80xi32, #tpu.memory_space<vmem>>) target_semaphore(%run_scoped3A : memref<!tpu.dma_semaphore, #tpu.memory_space<semaphore_mem>>)
      %dma_wait3A = arith.constant 0 : i32
      %dma_wait3A_57 = arith.constant 0 : i32
      %dma_wait3A_58 = tpu.memref_slice %arg4[%add3A, %dma_wait3A, %dma_wait3A_57] : memref<32x125x80xi32, #tpu.memory_space<hbm>> -> memref<1x125x80xi32, #tpu.memory_space<hbm>>
      %dma_wait3A_59 = tpu.memref_squeeze %dma_wait3A_58 : memref<1x125x80xi32, #tpu.memory_space<hbm>> -> memref<125x80xi32, #tpu.memory_space<hbm>>
      %dma_wait3A_60 = arith.constant 0 : i32
      %dma_wait3A_61 = arith.constant 0 : i32
      %dma_wait3A_62 = tpu.memref_slice %arg4[%add3A, %dma_wait3A_60, %dma_wait3A_61] : memref<32x125x80xi32, #tpu.memory_space<hbm>> -> memref<1x125x80xi32, #tpu.memory_space<hbm>>
      %dma_wait3A_63 = tpu.memref_squeeze %dma_wait3A_62 : memref<1x125x80xi32, #tpu.memory_space<hbm>> -> memref<125x80xi32, #tpu.memory_space<hbm>>
      tpu.wait_dma2 semaphore(%run_scoped3A : memref<!tpu.dma_semaphore, #tpu.memory_space<semaphore_mem>>) src(%dma_wait3A_63 : memref<125x80xi32, #tpu.memory_space<hbm>>) dst(%arg8 : memref<125x80xi32, #tpu.memory_space<vmem>>)
      tpu.yield
    }) : () -> ()
    %mul3A_1 = arith.constant 640 : i32
    %mul3A_2 = arith.muli %arg1, %mul3A_1 : i32
    %mul3A_3 = arith.constant 640 : i32
    %mul3A_4 = arith.muli %arg1, %mul3A_3 : i32
    "tpu.region"() ({
      %run_scoped3A = tpu.sem_alloc : memref<!tpu.dma_semaphore, #tpu.memory_space<semaphore_mem>>
      %dma_start3A_49 = arith.constant 0 : i32
      %dma_start3A_50 = tpu.memref_slice %arg14[%mul3A_4, %dma_start3A_49] : memref<10240x64xf32, #tpu.memory_space<vmem_shared>> -> memref<640x64xf32, #tpu.memory_space<vmem_shared>>
      %dma_start3A_51 = arith.constant 0 : i32
      %dma_start3A_52 = tpu.memref_slice %arg5[%mul3A_2, %dma_start3A_51] : memref<10240x64xf32, #tpu.memory_space<hbm>> -> memref<640x64xf32, #tpu.memory_space<hbm>>
      tpu.enqueue_dma source(%dma_start3A_52 : memref<640x64xf32, #tpu.memory_space<hbm>>) target(%dma_start3A_50 : memref<640x64xf32, #tpu.memory_space<vmem_shared>>) target_semaphore(%run_scoped3A : memref<!tpu.dma_semaphore, #tpu.memory_space<semaphore_mem>>)
      %dma_wait3A = arith.constant 0 : i32
      %dma_wait3A_53 = tpu.memref_slice %arg14[%mul3A_4, %dma_wait3A] : memref<10240x64xf32, #tpu.memory_space<vmem_shared>> -> memref<640x64xf32, #tpu.memory_space<vmem_shared>>
      %dma_wait3A_54 = arith.constant 0 : i32
      %dma_wait3A_55 = tpu.memref_slice %arg5[%mul3A_2, %dma_wait3A_54] : memref<10240x64xf32, #tpu.memory_space<hbm>> -> memref<640x64xf32, #tpu.memory_space<hbm>>
      tpu.wait_dma2 semaphore(%run_scoped3A : memref<!tpu.dma_semaphore, #tpu.memory_space<semaphore_mem>>) src(%dma_wait3A_55 : memref<640x64xf32, #tpu.memory_space<hbm>>) dst(%dma_wait3A_53 : memref<640x64xf32, #tpu.memory_space<vmem_shared>>)
      tpu.yield
    }) : () -> ()
    %barrier3A = arith.constant 0 : index
    tpu.barrier barrier_id(%barrier3A)
    %dma_start3A = arith.constant 0 : i32
    %dma_start3A_5 = arith.constant 0 : i32
    %dma_start3A_6 = tpu.memref_slice %arg7[%dma_start3A, %dma_start3A_5] : memref<125x80xi32, #tpu.memory_space<vmem>> -> memref<1x80xi32, #tpu.memory_space<vmem>>
    %dma_start3A_7 = tpu.memref_squeeze %dma_start3A_6 : memref<1x80xi32, #tpu.memory_space<vmem>> -> memref<80xi32, #tpu.memory_space<vmem>>
    %dma_start3A_8 = arith.constant 0 : i32
    %dma_start3A_9 = arith.constant 0 : i32
    %dma_start3A_10 = tpu.memref_slice %arg2[%dma_start3A_8, %dma_start3A_9] : memref<10240x64xf32, #tpu.memory_space<hbm>> -> memref<10240x64xf32, #tpu.memory_space<hbm>>
    tpu.enqueue_indirect_dma source(%dma_start3A_10 : memref<10240x64xf32, #tpu.memory_space<hbm>>) target(%arg9 : memref<80x64xf32, #tpu.memory_space<vmem>>) offsets(%dma_start3A_7 : memref<80xi32, #tpu.memory_space<vmem>>) semaphore(%arg15 : memref<!tpu.dma_semaphore, #tpu.memory_space<semaphore_mem>>)
    %dma_start3A_11 = arith.constant 1 : i32
    %dma_start3A_12 = arith.constant 0 : i32
    %dma_start3A_13 = tpu.memref_slice %arg7[%dma_start3A_11, %dma_start3A_12] : memref<125x80xi32, #tpu.memory_space<vmem>> -> memref<1x80xi32, #tpu.memory_space<vmem>>
    %dma_start3A_14 = tpu.memref_squeeze %dma_start3A_13 : memref<1x80xi32, #tpu.memory_space<vmem>> -> memref<80xi32, #tpu.memory_space<vmem>>
    %dma_start3A_15 = arith.constant 0 : i32
    %dma_start3A_16 = arith.constant 0 : i32
    %dma_start3A_17 = tpu.memref_slice %arg2[%dma_start3A_15, %dma_start3A_16] : memref<10240x64xf32, #tpu.memory_space<hbm>> -> memref<10240x64xf32, #tpu.memory_space<hbm>>
    tpu.enqueue_indirect_dma source(%dma_start3A_17 : memref<10240x64xf32, #tpu.memory_space<hbm>>) target(%arg10 : memref<80x64xf32, #tpu.memory_space<vmem>>) offsets(%dma_start3A_14 : memref<80xi32, #tpu.memory_space<vmem>>) semaphore(%arg16 : memref<!tpu.dma_semaphore, #tpu.memory_space<semaphore_mem>>)
    %dma_start3A_18 = arith.constant 2 : i32
    %dma_start3A_19 = arith.constant 0 : i32
    %dma_start3A_20 = tpu.memref_slice %arg7[%dma_start3A_18, %dma_start3A_19] : memref<125x80xi32, #tpu.memory_space<vmem>> -> memref<1x80xi32, #tpu.memory_space<vmem>>
    %dma_start3A_21 = tpu.memref_squeeze %dma_start3A_20 : memref<1x80xi32, #tpu.memory_space<vmem>> -> memref<80xi32, #tpu.memory_space<vmem>>
    %dma_start3A_22 = arith.constant 0 : i32
    %dma_start3A_23 = arith.constant 0 : i32
    %dma_start3A_24 = tpu.memref_slice %arg2[%dma_start3A_22, %dma_start3A_23] : memref<10240x64xf32, #tpu.memory_space<hbm>> -> memref<10240x64xf32, #tpu.memory_space<hbm>>
    tpu.enqueue_indirect_dma source(%dma_start3A_24 : memref<10240x64xf32, #tpu.memory_space<hbm>>) target(%arg11 : memref<80x64xf32, #tpu.memory_space<vmem>>) offsets(%dma_start3A_21 : memref<80xi32, #tpu.memory_space<vmem>>) semaphore(%arg17 : memref<!tpu.dma_semaphore, #tpu.memory_space<semaphore_mem>>)
    %dma_start3A_25 = arith.constant 3 : i32
    %dma_start3A_26 = arith.constant 0 : i32
    %dma_start3A_27 = tpu.memref_slice %arg7[%dma_start3A_25, %dma_start3A_26] : memref<125x80xi32, #tpu.memory_space<vmem>> -> memref<1x80xi32, #tpu.memory_space<vmem>>
    %dma_start3A_28 = tpu.memref_squeeze %dma_start3A_27 : memref<1x80xi32, #tpu.memory_space<vmem>> -> memref<80xi32, #tpu.memory_space<vmem>>
    %dma_start3A_29 = arith.constant 0 : i32
    %dma_start3A_30 = arith.constant 0 : i32
    %dma_start3A_31 = tpu.memref_slice %arg2[%dma_start3A_29, %dma_start3A_30] : memref<10240x64xf32, #tpu.memory_space<hbm>> -> memref<10240x64xf32, #tpu.memory_space<hbm>>
    tpu.enqueue_indirect_dma source(%dma_start3A_31 : memref<10240x64xf32, #tpu.memory_space<hbm>>) target(%arg12 : memref<80x64xf32, #tpu.memory_space<vmem>>) offsets(%dma_start3A_28 : memref<80xi32, #tpu.memory_space<vmem>>) semaphore(%arg18 : memref<!tpu.dma_semaphore, #tpu.memory_space<semaphore_mem>>)
    %dma_start3A_32 = arith.constant 4 : i32
    %dma_start3A_33 = arith.constant 0 : i32
    %dma_start3A_34 = tpu.memref_slice %arg7[%dma_start3A_32, %dma_start3A_33] : memref<125x80xi32, #tpu.memory_space<vmem>> -> memref<1x80xi32, #tpu.memory_space<vmem>>
    %dma_start3A_35 = tpu.memref_squeeze %dma_start3A_34 : memref<1x80xi32, #tpu.memory_space<vmem>> -> memref<80xi32, #tpu.memory_space<vmem>>
    %dma_start3A_36 = arith.constant 0 : i32
    %dma_start3A_37 = arith.constant 0 : i32
    %dma_start3A_38 = tpu.memref_slice %arg2[%dma_start3A_36, %dma_start3A_37] : memref<10240x64xf32, #tpu.memory_space<hbm>> -> memref<10240x64xf32, #tpu.memory_space<hbm>>
    tpu.enqueue_indirect_dma source(%dma_start3A_38 : memref<10240x64xf32, #tpu.memory_space<hbm>>) target(%arg13 : memref<80x64xf32, #tpu.memory_space<vmem>>) offsets(%dma_start3A_35 : memref<80xi32, #tpu.memory_space<vmem>>) semaphore(%arg19 : memref<!tpu.dma_semaphore, #tpu.memory_space<semaphore_mem>>)
    %scan3A = arith.constant 0 : i32
    %scan3A_39 = arith.constant 0 : i32
    %scan3A_40 = arith.constant 25 : i32
    %scan3A_41 = arith.addi %scan3A_39, %scan3A_40 : i32
    %scan3A_42 = arith.constant 1 : i32
    scf.for %scan3A_49 = %scan3A_39 to %scan3A_41 step %scan3A_42  : i32 {
      %mul3A_50 = arith.constant 5 : i32
      %mul3A_51 = arith.muli %scan3A_49, %mul3A_50 : i32
      %add3A_52 = arith.constant 0 : i32
      %add3A_53 = arith.addi %mul3A_51, %add3A_52 : i32
      %dma_wait3A = arith.constant 0 : i32
      %dma_wait3A_54 = tpu.memref_slice %arg7[%add3A_53, %dma_wait3A] : memref<125x80xi32, #tpu.memory_space<vmem>> -> memref<1x80xi32, #tpu.memory_space<vmem>>
      %dma_wait3A_55 = tpu.memref_squeeze %dma_wait3A_54 : memref<1x80xi32, #tpu.memory_space<vmem>> -> memref<80xi32, #tpu.memory_space<vmem>>
      %dma_wait3A_56 = arith.constant 0 : i32
      %dma_wait3A_57 = arith.constant 0 : i32
      %dma_wait3A_58 = tpu.memref_slice %arg2[%dma_wait3A_56, %dma_wait3A_57] : memref<10240x64xf32, #tpu.memory_space<hbm>> -> memref<10240x64xf32, #tpu.memory_space<hbm>>
      tpu.wait_indirect_dma semaphore(%arg15 : memref<!tpu.dma_semaphore, #tpu.memory_space<semaphore_mem>>) src(%dma_wait3A_58 : memref<10240x64xf32, #tpu.memory_space<hbm>>) dst(%arg9 : memref<80x64xf32, #tpu.memory_space<vmem>>)
      "tpu.region"() ({
        %run_scoped3A = tpu.sem_alloc : memref<!tpu.dma_semaphore, #tpu.memory_space<semaphore_mem>>
        %dma_start3A_123 = arith.constant 0 : i32
        %dma_start3A_124 = tpu.memref_slice %arg8[%add3A_53, %dma_start3A_123] : memref<125x80xi32, #tpu.memory_space<vmem>> -> memref<1x80xi32, #tpu.memory_space<vmem>>
        %dma_start3A_125 = tpu.memref_squeeze %dma_start3A_124 : memref<1x80xi32, #tpu.memory_space<vmem>> -> memref<80xi32, #tpu.memory_space<vmem>>
        %dma_start3A_126 = arith.constant 0 : i32
        %dma_start3A_127 = arith.constant 0 : i32
        %dma_start3A_128 = tpu.memref_slice %arg14[%dma_start3A_126, %dma_start3A_127] : memref<10240x64xf32, #tpu.memory_space<vmem_shared>> -> memref<10240x64xf32, #tpu.memory_space<vmem_shared>>
        tpu.enqueue_indirect_dma source(%arg9 : memref<80x64xf32, #tpu.memory_space<vmem>>) target(%dma_start3A_128 : memref<10240x64xf32, #tpu.memory_space<vmem_shared>>) offsets(%dma_start3A_125 : memref<80xi32, #tpu.memory_space<vmem>>) semaphore(%run_scoped3A : memref<!tpu.dma_semaphore, #tpu.memory_space<semaphore_mem>>) {add = true}
        %dma_wait3A_129 = arith.constant 0 : i32
        %dma_wait3A_130 = tpu.memref_slice %arg8[%add3A_53, %dma_wait3A_129] : memref<125x80xi32, #tpu.memory_space<vmem>> -> memref<1x80xi32, #tpu.memory_space<vmem>>
        %dma_wait3A_131 = tpu.memref_squeeze %dma_wait3A_130 : memref<1x80xi32, #tpu.memory_space<vmem>> -> memref<80xi32, #tpu.memory_space<vmem>>
        %dma_wait3A_132 = arith.constant 0 : i32
        %dma_wait3A_133 = arith.constant 0 : i32
        %dma_wait3A_134 = tpu.memref_slice %arg14[%dma_wait3A_132, %dma_wait3A_133] : memref<10240x64xf32, #tpu.memory_space<vmem_shared>> -> memref<10240x64xf32, #tpu.memory_space<vmem_shared>>
        tpu.wait_indirect_dma semaphore(%run_scoped3A : memref<!tpu.dma_semaphore, #tpu.memory_space<semaphore_mem>>) src(%arg9 : memref<80x64xf32, #tpu.memory_space<vmem>>) dst(%dma_wait3A_134 : memref<10240x64xf32, #tpu.memory_space<vmem_shared>>)
        tpu.yield
      }) : () -> ()
      %add3A_59 = arith.constant 5 : i32
      %add3A_60 = arith.addi %add3A_53, %add3A_59 : i32
      %lt3A = arith.constant 125 : i32
      %lt3A_61 = arith.cmpi slt, %add3A_60, %lt3A : i32
      %convert_element_type3A = arith.extui %lt3A_61 : i1 to i32
      %cond3A = arith.constant 0 : i32
      %cond3A_62 = arith.cmpi ne, %convert_element_type3A, %cond3A : i32
      scf.if %cond3A_62 {
        %add3A_123 = arith.constant 5 : i32
        %add3A_124 = arith.addi %add3A_53, %add3A_123 : i32
        %dma_start3A_125 = arith.constant 0 : i32
        %dma_start3A_126 = tpu.memref_slice %arg7[%add3A_124, %dma_start3A_125] : memref<125x80xi32, #tpu.memory_space<vmem>> -> memref<1x80xi32, #tpu.memory_space<vmem>>
        %dma_start3A_127 = tpu.memref_squeeze %dma_start3A_126 : memref<1x80xi32, #tpu.memory_space<vmem>> -> memref<80xi32, #tpu.memory_space<vmem>>
        %dma_start3A_128 = arith.constant 0 : i32
        %dma_start3A_129 = arith.constant 0 : i32
        %dma_start3A_130 = tpu.memref_slice %arg2[%dma_start3A_128, %dma_start3A_129] : memref<10240x64xf32, #tpu.memory_space<hbm>> -> memref<10240x64xf32, #tpu.memory_space<hbm>>
        tpu.enqueue_indirect_dma source(%dma_start3A_130 : memref<10240x64xf32, #tpu.memory_space<hbm>>) target(%arg9 : memref<80x64xf32, #tpu.memory_space<vmem>>) offsets(%dma_start3A_127 : memref<80xi32, #tpu.memory_space<vmem>>) semaphore(%arg15 : memref<!tpu.dma_semaphore, #tpu.memory_space<semaphore_mem>>)
      } else {
      }
      %add3A_63 = arith.constant 1 : i32
      %add3A_64 = arith.addi %mul3A_51, %add3A_63 : i32
      %dma_wait3A_65 = arith.constant 0 : i32
      %dma_wait3A_66 = tpu.memref_slice %arg7[%add3A_64, %dma_wait3A_65] : memref<125x80xi32, #tpu.memory_space<vmem>> -> memref<1x80xi32, #tpu.memory_space<vmem>>
      %dma_wait3A_67 = tpu.memref_squeeze %dma_wait3A_66 : memref<1x80xi32, #tpu.memory_space<vmem>> -> memref<80xi32, #tpu.memory_space<vmem>>
      %dma_wait3A_68 = arith.constant 0 : i32
      %dma_wait3A_69 = arith.constant 0 : i32
      %dma_wait3A_70 = tpu.memref_slice %arg2[%dma_wait3A_68, %dma_wait3A_69] : memref<10240x64xf32, #tpu.memory_space<hbm>> -> memref<10240x64xf32, #tpu.memory_space<hbm>>
      tpu.wait_indirect_dma semaphore(%arg16 : memref<!tpu.dma_semaphore, #tpu.memory_space<semaphore_mem>>) src(%dma_wait3A_70 : memref<10240x64xf32, #tpu.memory_space<hbm>>) dst(%arg10 : memref<80x64xf32, #tpu.memory_space<vmem>>)
      "tpu.region"() ({
        %run_scoped3A = tpu.sem_alloc : memref<!tpu.dma_semaphore, #tpu.memory_space<semaphore_mem>>
        %dma_start3A_123 = arith.constant 0 : i32
        %dma_start3A_124 = tpu.memref_slice %arg8[%add3A_64, %dma_start3A_123] : memref<125x80xi32, #tpu.memory_space<vmem>> -> memref<1x80xi32, #tpu.memory_space<vmem>>
        %dma_start3A_125 = tpu.memref_squeeze %dma_start3A_124 : memref<1x80xi32, #tpu.memory_space<vmem>> -> memref<80xi32, #tpu.memory_space<vmem>>
        %dma_start3A_126 = arith.constant 0 : i32
        %dma_start3A_127 = arith.constant 0 : i32
        %dma_start3A_128 = tpu.memref_slice %arg14[%dma_start3A_126, %dma_start3A_127] : memref<10240x64xf32, #tpu.memory_space<vmem_shared>> -> memref<10240x64xf32, #tpu.memory_space<vmem_shared>>
        tpu.enqueue_indirect_dma source(%arg10 : memref<80x64xf32, #tpu.memory_space<vmem>>) target(%dma_start3A_128 : memref<10240x64xf32, #tpu.memory_space<vmem_shared>>) offsets(%dma_start3A_125 : memref<80xi32, #tpu.memory_space<vmem>>) semaphore(%run_scoped3A : memref<!tpu.dma_semaphore, #tpu.memory_space<semaphore_mem>>) {add = true}
        %dma_wait3A_129 = arith.constant 0 : i32
        %dma_wait3A_130 = tpu.memref_slice %arg8[%add3A_64, %dma_wait3A_129] : memref<125x80xi32, #tpu.memory_space<vmem>> -> memref<1x80xi32, #tpu.memory_space<vmem>>
        %dma_wait3A_131 = tpu.memref_squeeze %dma_wait3A_130 : memref<1x80xi32, #tpu.memory_space<vmem>> -> memref<80xi32, #tpu.memory_space<vmem>>
        %dma_wait3A_132 = arith.constant 0 : i32
        %dma_wait3A_133 = arith.constant 0 : i32
        %dma_wait3A_134 = tpu.memref_slice %arg14[%dma_wait3A_132, %dma_wait3A_133] : memref<10240x64xf32, #tpu.memory_space<vmem_shared>> -> memref<10240x64xf32, #tpu.memory_space<vmem_shared>>
        tpu.wait_indirect_dma semaphore(%run_scoped3A : memref<!tpu.dma_semaphore, #tpu.memory_space<semaphore_mem>>) src(%arg10 : memref<80x64xf32, #tpu.memory_space<vmem>>) dst(%dma_wait3A_134 : memref<10240x64xf32, #tpu.memory_space<vmem_shared>>)
        tpu.yield
      }) : () -> ()
      %add3A_71 = arith.constant 5 : i32
      %add3A_72 = arith.addi %add3A_64, %add3A_71 : i32
      %lt3A_73 = arith.constant 125 : i32
      %lt3A_74 = arith.cmpi slt, %add3A_72, %lt3A_73 : i32
      %convert_element_type3A_75 = arith.extui %lt3A_74 : i1 to i32
      %cond3A_76 = arith.constant 0 : i32
      %cond3A_77 = arith.cmpi ne, %convert_element_type3A_75, %cond3A_76 : i32
      scf.if %cond3A_77 {
        %add3A_123 = arith.constant 5 : i32
        %add3A_124 = arith.addi %add3A_64, %add3A_123 : i32
        %dma_start3A_125 = arith.constant 0 : i32
        %dma_start3A_126 = tpu.memref_slice %arg7[%add3A_124, %dma_start3A_125] : memref<125x80xi32, #tpu.memory_space<vmem>> -> memref<1x80xi32, #tpu.memory_space<vmem>>
        %dma_start3A_127 = tpu.memref_squeeze %dma_start3A_126 : memref<1x80xi32, #tpu.memory_space<vmem>> -> memref<80xi32, #tpu.memory_space<vmem>>
        %dma_start3A_128 = arith.constant 0 : i32
        %dma_start3A_129 = arith.constant 0 : i32
        %dma_start3A_130 = tpu.memref_slice %arg2[%dma_start3A_128, %dma_start3A_129] : memref<10240x64xf32, #tpu.memory_space<hbm>> -> memref<10240x64xf32, #tpu.memory_space<hbm>>
        tpu.enqueue_indirect_dma source(%dma_start3A_130 : memref<10240x64xf32, #tpu.memory_space<hbm>>) target(%arg10 : memref<80x64xf32, #tpu.memory_space<vmem>>) offsets(%dma_start3A_127 : memref<80xi32, #tpu.memory_space<vmem>>) semaphore(%arg16 : memref<!tpu.dma_semaphore, #tpu.memory_space<semaphore_mem>>)
      } else {
      }
      %add3A_78 = arith.constant 2 : i32
      %add3A_79 = arith.addi %mul3A_51, %add3A_78 : i32
      %dma_wait3A_80 = arith.constant 0 : i32
      %dma_wait3A_81 = tpu.memref_slice %arg7[%add3A_79, %dma_wait3A_80] : memref<125x80xi32, #tpu.memory_space<vmem>> -> memref<1x80xi32, #tpu.memory_space<vmem>>
      %dma_wait3A_82 = tpu.memref_squeeze %dma_wait3A_81 : memref<1x80xi32, #tpu.memory_space<vmem>> -> memref<80xi32, #tpu.memory_space<vmem>>
      %dma_wait3A_83 = arith.constant 0 : i32
      %dma_wait3A_84 = arith.constant 0 : i32
      %dma_wait3A_85 = tpu.memref_slice %arg2[%dma_wait3A_83, %dma_wait3A_84] : memref<10240x64xf32, #tpu.memory_space<hbm>> -> memref<10240x64xf32, #tpu.memory_space<hbm>>
      tpu.wait_indirect_dma semaphore(%arg17 : memref<!tpu.dma_semaphore, #tpu.memory_space<semaphore_mem>>) src(%dma_wait3A_85 : memref<10240x64xf32, #tpu.memory_space<hbm>>) dst(%arg11 : memref<80x64xf32, #tpu.memory_space<vmem>>)
      "tpu.region"() ({
        %run_scoped3A = tpu.sem_alloc : memref<!tpu.dma_semaphore, #tpu.memory_space<semaphore_mem>>
        %dma_start3A_123 = arith.constant 0 : i32
        %dma_start3A_124 = tpu.memref_slice %arg8[%add3A_79, %dma_start3A_123] : memref<125x80xi32, #tpu.memory_space<vmem>> -> memref<1x80xi32, #tpu.memory_space<vmem>>
        %dma_start3A_125 = tpu.memref_squeeze %dma_start3A_124 : memref<1x80xi32, #tpu.memory_space<vmem>> -> memref<80xi32, #tpu.memory_space<vmem>>
        %dma_start3A_126 = arith.constant 0 : i32
        %dma_start3A_127 = arith.constant 0 : i32
        %dma_start3A_128 = tpu.memref_slice %arg14[%dma_start3A_126, %dma_start3A_127] : memref<10240x64xf32, #tpu.memory_space<vmem_shared>> -> memref<10240x64xf32, #tpu.memory_space<vmem_shared>>
        tpu.enqueue_indirect_dma source(%arg11 : memref<80x64xf32, #tpu.memory_space<vmem>>) target(%dma_start3A_128 : memref<10240x64xf32, #tpu.memory_space<vmem_shared>>) offsets(%dma_start3A_125 : memref<80xi32, #tpu.memory_space<vmem>>) semaphore(%run_scoped3A : memref<!tpu.dma_semaphore, #tpu.memory_space<semaphore_mem>>) {add = true}
        %dma_wait3A_129 = arith.constant 0 : i32
        %dma_wait3A_130 = tpu.memref_slice %arg8[%add3A_79, %dma_wait3A_129] : memref<125x80xi32, #tpu.memory_space<vmem>> -> memref<1x80xi32, #tpu.memory_space<vmem>>
        %dma_wait3A_131 = tpu.memref_squeeze %dma_wait3A_130 : memref<1x80xi32, #tpu.memory_space<vmem>> -> memref<80xi32, #tpu.memory_space<vmem>>
        %dma_wait3A_132 = arith.constant 0 : i32
        %dma_wait3A_133 = arith.constant 0 : i32
        %dma_wait3A_134 = tpu.memref_slice %arg14[%dma_wait3A_132, %dma_wait3A_133] : memref<10240x64xf32, #tpu.memory_space<vmem_shared>> -> memref<10240x64xf32, #tpu.memory_space<vmem_shared>>
        tpu.wait_indirect_dma semaphore(%run_scoped3A : memref<!tpu.dma_semaphore, #tpu.memory_space<semaphore_mem>>) src(%arg11 : memref<80x64xf32, #tpu.memory_space<vmem>>) dst(%dma_wait3A_134 : memref<10240x64xf32, #tpu.memory_space<vmem_shared>>)
        tpu.yield
      }) : () -> ()
      %add3A_86 = arith.constant 5 : i32
      %add3A_87 = arith.addi %add3A_79, %add3A_86 : i32
      %lt3A_88 = arith.constant 125 : i32
      %lt3A_89 = arith.cmpi slt, %add3A_87, %lt3A_88 : i32
      %convert_element_type3A_90 = arith.extui %lt3A_89 : i1 to i32
      %cond3A_91 = arith.constant 0 : i32
      %cond3A_92 = arith.cmpi ne, %convert_element_type3A_90, %cond3A_91 : i32
      scf.if %cond3A_92 {
        %add3A_123 = arith.constant 5 : i32
        %add3A_124 = arith.addi %add3A_79, %add3A_123 : i32
        %dma_start3A_125 = arith.constant 0 : i32
        %dma_start3A_126 = tpu.memref_slice %arg7[%add3A_124, %dma_start3A_125] : memref<125x80xi32, #tpu.memory_space<vmem>> -> memref<1x80xi32, #tpu.memory_space<vmem>>
        %dma_start3A_127 = tpu.memref_squeeze %dma_start3A_126 : memref<1x80xi32, #tpu.memory_space<vmem>> -> memref<80xi32, #tpu.memory_space<vmem>>
        %dma_start3A_128 = arith.constant 0 : i32
        %dma_start3A_129 = arith.constant 0 : i32
        %dma_start3A_130 = tpu.memref_slice %arg2[%dma_start3A_128, %dma_start3A_129] : memref<10240x64xf32, #tpu.memory_space<hbm>> -> memref<10240x64xf32, #tpu.memory_space<hbm>>
        tpu.enqueue_indirect_dma source(%dma_start3A_130 : memref<10240x64xf32, #tpu.memory_space<hbm>>) target(%arg11 : memref<80x64xf32, #tpu.memory_space<vmem>>) offsets(%dma_start3A_127 : memref<80xi32, #tpu.memory_space<vmem>>) semaphore(%arg17 : memref<!tpu.dma_semaphore, #tpu.memory_space<semaphore_mem>>)
      } else {
      }
      %add3A_93 = arith.constant 3 : i32
      %add3A_94 = arith.addi %mul3A_51, %add3A_93 : i32
      %dma_wait3A_95 = arith.constant 0 : i32
      %dma_wait3A_96 = tpu.memref_slice %arg7[%add3A_94, %dma_wait3A_95] : memref<125x80xi32, #tpu.memory_space<vmem>> -> memref<1x80xi32, #tpu.memory_space<vmem>>
      %dma_wait3A_97 = tpu.memref_squeeze %dma_wait3A_96 : memref<1x80xi32, #tpu.memory_space<vmem>> -> memref<80xi32, #tpu.memory_space<vmem>>
      %dma_wait3A_98 = arith.constant 0 : i32
      %dma_wait3A_99 = arith.constant 0 : i32
      %dma_wait3A_100 = tpu.memref_slice %arg2[%dma_wait3A_98, %dma_wait3A_99] : memref<10240x64xf32, #tpu.memory_space<hbm>> -> memref<10240x64xf32, #tpu.memory_space<hbm>>
      tpu.wait_indirect_dma semaphore(%arg18 : memref<!tpu.dma_semaphore, #tpu.memory_space<semaphore_mem>>) src(%dma_wait3A_100 : memref<10240x64xf32, #tpu.memory_space<hbm>>) dst(%arg12 : memref<80x64xf32, #tpu.memory_space<vmem>>)
      "tpu.region"() ({
        %run_scoped3A = tpu.sem_alloc : memref<!tpu.dma_semaphore, #tpu.memory_space<semaphore_mem>>
        %dma_start3A_123 = arith.constant 0 : i32
        %dma_start3A_124 = tpu.memref_slice %arg8[%add3A_94, %dma_start3A_123] : memref<125x80xi32, #tpu.memory_space<vmem>> -> memref<1x80xi32, #tpu.memory_space<vmem>>
        %dma_start3A_125 = tpu.memref_squeeze %dma_start3A_124 : memref<1x80xi32, #tpu.memory_space<vmem>> -> memref<80xi32, #tpu.memory_space<vmem>>
        %dma_start3A_126 = arith.constant 0 : i32
        %dma_start3A_127 = arith.constant 0 : i32
        %dma_start3A_128 = tpu.memref_slice %arg14[%dma_start3A_126, %dma_start3A_127] : memref<10240x64xf32, #tpu.memory_space<vmem_shared>> -> memref<10240x64xf32, #tpu.memory_space<vmem_shared>>
        tpu.enqueue_indirect_dma source(%arg12 : memref<80x64xf32, #tpu.memory_space<vmem>>) target(%dma_start3A_128 : memref<10240x64xf32, #tpu.memory_space<vmem_shared>>) offsets(%dma_start3A_125 : memref<80xi32, #tpu.memory_space<vmem>>) semaphore(%run_scoped3A : memref<!tpu.dma_semaphore, #tpu.memory_space<semaphore_mem>>) {add = true}
        %dma_wait3A_129 = arith.constant 0 : i32
        %dma_wait3A_130 = tpu.memref_slice %arg8[%add3A_94, %dma_wait3A_129] : memref<125x80xi32, #tpu.memory_space<vmem>> -> memref<1x80xi32, #tpu.memory_space<vmem>>
        %dma_wait3A_131 = tpu.memref_squeeze %dma_wait3A_130 : memref<1x80xi32, #tpu.memory_space<vmem>> -> memref<80xi32, #tpu.memory_space<vmem>>
        %dma_wait3A_132 = arith.constant 0 : i32
        %dma_wait3A_133 = arith.constant 0 : i32
        %dma_wait3A_134 = tpu.memref_slice %arg14[%dma_wait3A_132, %dma_wait3A_133] : memref<10240x64xf32, #tpu.memory_space<vmem_shared>> -> memref<10240x64xf32, #tpu.memory_space<vmem_shared>>
        tpu.wait_indirect_dma semaphore(%run_scoped3A : memref<!tpu.dma_semaphore, #tpu.memory_space<semaphore_mem>>) src(%arg12 : memref<80x64xf32, #tpu.memory_space<vmem>>) dst(%dma_wait3A_134 : memref<10240x64xf32, #tpu.memory_space<vmem_shared>>)
        tpu.yield
      }) : () -> ()
      %add3A_101 = arith.constant 5 : i32
      %add3A_102 = arith.addi %add3A_94, %add3A_101 : i32
      %lt3A_103 = arith.constant 125 : i32
      %lt3A_104 = arith.cmpi slt, %add3A_102, %lt3A_103 : i32
      %convert_element_type3A_105 = arith.extui %lt3A_104 : i1 to i32
      %cond3A_106 = arith.constant 0 : i32
      %cond3A_107 = arith.cmpi ne, %convert_element_type3A_105, %cond3A_106 : i32
      scf.if %cond3A_107 {
        %add3A_123 = arith.constant 5 : i32
        %add3A_124 = arith.addi %add3A_94, %add3A_123 : i32
        %dma_start3A_125 = arith.constant 0 : i32
        %dma_start3A_126 = tpu.memref_slice %arg7[%add3A_124, %dma_start3A_125] : memref<125x80xi32, #tpu.memory_space<vmem>> -> memref<1x80xi32, #tpu.memory_space<vmem>>
        %dma_start3A_127 = tpu.memref_squeeze %dma_start3A_126 : memref<1x80xi32, #tpu.memory_space<vmem>> -> memref<80xi32, #tpu.memory_space<vmem>>
        %dma_start3A_128 = arith.constant 0 : i32
        %dma_start3A_129 = arith.constant 0 : i32
        %dma_start3A_130 = tpu.memref_slice %arg2[%dma_start3A_128, %dma_start3A_129] : memref<10240x64xf32, #tpu.memory_space<hbm>> -> memref<10240x64xf32, #tpu.memory_space<hbm>>
        tpu.enqueue_indirect_dma source(%dma_start3A_130 : memref<10240x64xf32, #tpu.memory_space<hbm>>) target(%arg12 : memref<80x64xf32, #tpu.memory_space<vmem>>) offsets(%dma_start3A_127 : memref<80xi32, #tpu.memory_space<vmem>>) semaphore(%arg18 : memref<!tpu.dma_semaphore, #tpu.memory_space<semaphore_mem>>)
      } else {
      }
      %add3A_108 = arith.constant 4 : i32
      %add3A_109 = arith.addi %mul3A_51, %add3A_108 : i32
      %dma_wait3A_110 = arith.constant 0 : i32
      %dma_wait3A_111 = tpu.memref_slice %arg7[%add3A_109, %dma_wait3A_110] : memref<125x80xi32, #tpu.memory_space<vmem>> -> memref<1x80xi32, #tpu.memory_space<vmem>>
      %dma_wait3A_112 = tpu.memref_squeeze %dma_wait3A_111 : memref<1x80xi32, #tpu.memory_space<vmem>> -> memref<80xi32, #tpu.memory_space<vmem>>
      %dma_wait3A_113 = arith.constant 0 : i32
      %dma_wait3A_114 = arith.constant 0 : i32
      %dma_wait3A_115 = tpu.memref_slice %arg2[%dma_wait3A_113, %dma_wait3A_114] : memref<10240x64xf32, #tpu.memory_space<hbm>> -> memref<10240x64xf32, #tpu.memory_space<hbm>>
      tpu.wait_indirect_dma semaphore(%arg19 : memref<!tpu.dma_semaphore, #tpu.memory_space<semaphore_mem>>) src(%dma_wait3A_115 : memref<10240x64xf32, #tpu.memory_space<hbm>>) dst(%arg13 : memref<80x64xf32, #tpu.memory_space<vmem>>)
      "tpu.region"() ({
        %run_scoped3A = tpu.sem_alloc : memref<!tpu.dma_semaphore, #tpu.memory_space<semaphore_mem>>
        %dma_start3A_123 = arith.constant 0 : i32
        %dma_start3A_124 = tpu.memref_slice %arg8[%add3A_109, %dma_start3A_123] : memref<125x80xi32, #tpu.memory_space<vmem>> -> memref<1x80xi32, #tpu.memory_space<vmem>>
        %dma_start3A_125 = tpu.memref_squeeze %dma_start3A_124 : memref<1x80xi32, #tpu.memory_space<vmem>> -> memref<80xi32, #tpu.memory_space<vmem>>
        %dma_start3A_126 = arith.constant 0 : i32
        %dma_start3A_127 = arith.constant 0 : i32
        %dma_start3A_128 = tpu.memref_slice %arg14[%dma_start3A_126, %dma_start3A_127] : memref<10240x64xf32, #tpu.memory_space<vmem_shared>> -> memref<10240x64xf32, #tpu.memory_space<vmem_shared>>
        tpu.enqueue_indirect_dma source(%arg13 : memref<80x64xf32, #tpu.memory_space<vmem>>) target(%dma_start3A_128 : memref<10240x64xf32, #tpu.memory_space<vmem_shared>>) offsets(%dma_start3A_125 : memref<80xi32, #tpu.memory_space<vmem>>) semaphore(%run_scoped3A : memref<!tpu.dma_semaphore, #tpu.memory_space<semaphore_mem>>) {add = true}
        %dma_wait3A_129 = arith.constant 0 : i32
        %dma_wait3A_130 = tpu.memref_slice %arg8[%add3A_109, %dma_wait3A_129] : memref<125x80xi32, #tpu.memory_space<vmem>> -> memref<1x80xi32, #tpu.memory_space<vmem>>
        %dma_wait3A_131 = tpu.memref_squeeze %dma_wait3A_130 : memref<1x80xi32, #tpu.memory_space<vmem>> -> memref<80xi32, #tpu.memory_space<vmem>>
        %dma_wait3A_132 = arith.constant 0 : i32
        %dma_wait3A_133 = arith.constant 0 : i32
        %dma_wait3A_134 = tpu.memref_slice %arg14[%dma_wait3A_132, %dma_wait3A_133] : memref<10240x64xf32, #tpu.memory_space<vmem_shared>> -> memref<10240x64xf32, #tpu.memory_space<vmem_shared>>
        tpu.wait_indirect_dma semaphore(%run_scoped3A : memref<!tpu.dma_semaphore, #tpu.memory_space<semaphore_mem>>) src(%arg13 : memref<80x64xf32, #tpu.memory_space<vmem>>) dst(%dma_wait3A_134 : memref<10240x64xf32, #tpu.memory_space<vmem_shared>>)
        tpu.yield
      }) : () -> ()
      %add3A_116 = arith.constant 5 : i32
      %add3A_117 = arith.addi %add3A_109, %add3A_116 : i32
      %lt3A_118 = arith.constant 125 : i32
      %lt3A_119 = arith.cmpi slt, %add3A_117, %lt3A_118 : i32
      %convert_element_type3A_120 = arith.extui %lt3A_119 : i1 to i32
      %cond3A_121 = arith.constant 0 : i32
      %cond3A_122 = arith.cmpi ne, %convert_element_type3A_120, %cond3A_121 : i32
      scf.if %cond3A_122 {
        %add3A_123 = arith.constant 5 : i32
        %add3A_124 = arith.addi %add3A_109, %add3A_123 : i32
        %dma_start3A_125 = arith.constant 0 : i32
        %dma_start3A_126 = tpu.memref_slice %arg7[%add3A_124, %dma_start3A_125] : memref<125x80xi32, #tpu.memory_space<vmem>> -> memref<1x80xi32, #tpu.memory_space<vmem>>
        %dma_start3A_127 = tpu.memref_squeeze %dma_start3A_126 : memref<1x80xi32, #tpu.memory_space<vmem>> -> memref<80xi32, #tpu.memory_space<vmem>>
        %dma_start3A_128 = arith.constant 0 : i32
        %dma_start3A_129 = arith.constant 0 : i32
        %dma_start3A_130 = tpu.memref_slice %arg2[%dma_start3A_128, %dma_start3A_129] : memref<10240x64xf32, #tpu.memory_space<hbm>> -> memref<10240x64xf32, #tpu.memory_space<hbm>>
        tpu.enqueue_indirect_dma source(%dma_start3A_130 : memref<10240x64xf32, #tpu.memory_space<hbm>>) target(%arg13 : memref<80x64xf32, #tpu.memory_space<vmem>>) offsets(%dma_start3A_127 : memref<80xi32, #tpu.memory_space<vmem>>) semaphore(%arg19 : memref<!tpu.dma_semaphore, #tpu.memory_space<semaphore_mem>>)
      } else {
      }
    }
    %scan3A_43 = arith.constant 25 : i32
    %barrier3A_44 = arith.constant 0 : index
    tpu.barrier barrier_id(%barrier3A_44)
    %mul3A_45 = arith.constant 640 : i32
    %mul3A_46 = arith.muli %arg1, %mul3A_45 : i32
    %mul3A_47 = arith.constant 640 : i32
    %mul3A_48 = arith.muli %arg1, %mul3A_47 : i32
    "tpu.region"() ({
      %run_scoped3A = tpu.sem_alloc : memref<!tpu.dma_semaphore, #tpu.memory_space<semaphore_mem>>
      %dma_start3A_49 = arith.constant 0 : i32
      %dma_start3A_50 = tpu.memref_slice %arg6[%arg0, %mul3A_48, %dma_start3A_49] : memref<2x10240x64xf32, #tpu.memory_space<hbm>> -> memref<1x640x64xf32, #tpu.memory_space<hbm>>
      %dma_start3A_51 = tpu.memref_squeeze %dma_start3A_50 : memref<1x640x64xf32, #tpu.memory_space<hbm>> -> memref<640x64xf32, #tpu.memory_space<hbm>>
      %dma_start3A_52 = arith.constant 0 : i32
      %dma_start3A_53 = tpu.memref_slice %arg14[%mul3A_46, %dma_start3A_52] : memref<10240x64xf32, #tpu.memory_space<vmem_shared>> -> memref<640x64xf32, #tpu.memory_space<vmem_shared>>
      tpu.enqueue_dma source(%dma_start3A_53 : memref<640x64xf32, #tpu.memory_space<vmem_shared>>) target(%dma_start3A_51 : memref<640x64xf32, #tpu.memory_space<hbm>>) target_semaphore(%run_scoped3A : memref<!tpu.dma_semaphore, #tpu.memory_space<semaphore_mem>>)
      %dma_wait3A = arith.constant 0 : i32
      %dma_wait3A_54 = tpu.memref_slice %arg6[%arg0, %mul3A_48, %dma_wait3A] : memref<2x10240x64xf32, #tpu.memory_space<hbm>> -> memref<1x640x64xf32, #tpu.memory_space<hbm>>
      %dma_wait3A_55 = tpu.memref_squeeze %dma_wait3A_54 : memref<1x640x64xf32, #tpu.memory_space<hbm>> -> memref<640x64xf32, #tpu.memory_space<hbm>>
      %dma_wait3A_56 = arith.constant 0 : i32
      %dma_wait3A_57 = tpu.memref_slice %arg14[%mul3A_46, %dma_wait3A_56] : memref<10240x64xf32, #tpu.memory_space<vmem_shared>> -> memref<640x64xf32, #tpu.memory_space<vmem_shared>>
      tpu.wait_dma2 semaphore(%run_scoped3A : memref<!tpu.dma_semaphore, #tpu.memory_space<semaphore_mem>>) src(%dma_wait3A_57 : memref<640x64xf32, #tpu.memory_space<vmem_shared>>) dst(%dma_wait3A_55 : memref<640x64xf32, #tpu.memory_space<hbm>>)
      tpu.yield
    }) : () -> ()
    return
  }
}

module attributes {stable_mosaic.version = 14 : i64} {
  func.func @_dense1_body(%arg0: i32, %arg1: memref<1280x128xf32, #tpu.memory_space<vmem>>, %arg2: memref<128x64xf32, #tpu.memory_space<vmem>>, %arg3: memref<2x640x32xf32, #tpu.memory_space<vmem>>, %arg4: memref<640x128xf32, #tpu.memory_space<vmem>>) attributes {dimension_semantics = [#tpu.dimension_semantics<arbitrary>], iteration_bounds = array<i64: 8>, scalar_prefetch = 0 : i64, scratch_operands = 0 : i64, tpu.core_type = #tpu.core_type<tc>, window_params = [{transform_indices = @transform_0, window_bounds = array<i64: 1280, 128>}, {pipeline_mode = #tpu.pipeline_mode<synchronous>, transform_indices = @transform_1, window_bounds = array<i64: 128, 64>}, {transform_indices = @transform_2, window_bounds = array<i64: 2, 640, 32>}, {transform_indices = @transform_3, window_bounds = array<i64: 640, 128>}]} {
    %get3A = arith.constant 0 : index
    %get3A_0 = arith.constant 0 : index
    %get3A_1 = arith.constant 0 : index
    %get3A_2 = vector.load %arg3[%get3A, %get3A_0, %get3A_1] : memref<2x640x32xf32, #tpu.memory_space<vmem>>, vector<1x640x1xf32>
    %get3A_3 = vector.shape_cast %get3A_2 : vector<1x640x1xf32> to vector<640x1xf32>
    %get3A_4 = arith.constant 1 : index
    %get3A_5 = arith.constant 0 : index
    %get3A_6 = arith.constant 0 : index
    %get3A_7 = vector.load %arg3[%get3A_4, %get3A_5, %get3A_6] : memref<2x640x32xf32, #tpu.memory_space<vmem>>, vector<1x640x1xf32>
    %get3A_8 = vector.shape_cast %get3A_7 : vector<1x640x1xf32> to vector<640x1xf32>
    %add3A = arith.addf %get3A_3, %get3A_8 : vector<640x1xf32>
    %add3A_9 = arith.constant 1.000000e+00 : f32
    %add3A_10 = vector.broadcast %add3A_9 : f32 to vector<640x1xf32>
    %add3A_11 = arith.addf %add3A, %add3A_10 : vector<640x1xf32>
    %get3A_12 = arith.constant 0 : index
    %get3A_13 = arith.constant 0 : index
    %get3A_14 = arith.constant 16 : index
    %get3A_15 = vector.load %arg3[%get3A_12, %get3A_13, %get3A_14] : memref<2x640x32xf32, #tpu.memory_space<vmem>>, vector<1x640x1xf32>
    %get3A_16 = vector.shape_cast %get3A_15 : vector<1x640x1xf32> to vector<640x1xf32>
    %get3A_17 = arith.constant 1 : index
    %get3A_18 = arith.constant 0 : index
    %get3A_19 = arith.constant 16 : index
    %get3A_20 = vector.load %arg3[%get3A_17, %get3A_18, %get3A_19] : memref<2x640x32xf32, #tpu.memory_space<vmem>>, vector<1x640x1xf32>
    %get3A_21 = vector.shape_cast %get3A_20 : vector<1x640x1xf32> to vector<640x1xf32>
    %add3A_22 = arith.addf %get3A_16, %get3A_21 : vector<640x1xf32>
    %add3A_23 = arith.constant 1.000000e+00 : f32
    %add3A_24 = vector.broadcast %add3A_23 : f32 to vector<640x1xf32>
    %add3A_25 = arith.addf %add3A_22, %add3A_24 : vector<640x1xf32>
    %concatenate3A = tpu.concatenate %add3A_11, %add3A_25 in 0 : vector<640x1xf32>, vector<640x1xf32> -> vector<1280x1xf32>
    %sqrt3A = math.sqrt %concatenate3A : vector<1280x1xf32>
    %div3A = arith.constant 1.000000e+00 : f32
    %div3A_26 = vector.broadcast %div3A : f32 to vector<1280x1xf32>
    %div3A_27 = arith.divf %div3A_26, %sqrt3A : vector<1280x1xf32>
    %get3A_28 = arith.constant 0 : index
    %get3A_29 = arith.constant 0 : index
    %get3A_30 = vector.load %arg1[%get3A_28, %get3A_29] : memref<1280x128xf32, #tpu.memory_space<vmem>>, vector<1280x128xf32>
    %get3A_31 = arith.constant 0 : index
    %get3A_32 = arith.constant 0 : index
    %get3A_33 = vector.load %arg2[%get3A_31, %get3A_32] : memref<128x64xf32, #tpu.memory_space<vmem>>, vector<128x64xf32>
    %dot_general3A = arith.constant dense<0.000000e+00> : vector<1280x64xf32>
    %dot_general3A_34 = tpu.matmul %get3A_30, %get3A_33, %dot_general3A {dimension_numbers = #tpu.dot_dimension_numbers<[1], [0], [0], [1], [0, 0, 1, 1], [], []>, transpose_lhs_hint = false} : vector<1280x128xf32>, vector<128x64xf32>, vector<1280x64xf32> -> vector<1280x64xf32>
    %mul3A = vector.broadcast %div3A_27 : vector<1280x1xf32> to vector<1280x64xf32>
    %mul3A_35 = arith.mulf %dot_general3A_34, %mul3A : vector<1280x64xf32>
    %slice3A = vector.extract_strided_slice %mul3A_35 {offsets = [0, 0], sizes = [640, 64], strides = [1, 1]} : vector<1280x64xf32> to vector<640x64xf32>
    %slice3A_36 = vector.extract_strided_slice %mul3A_35 {offsets = [640, 0], sizes = [640, 64], strides = [1, 1]} : vector<1280x64xf32> to vector<640x64xf32>
    %concatenate3A_37 = tpu.concatenate %slice3A, %slice3A_36 in 1 : vector<640x64xf32>, vector<640x64xf32> -> vector<640x128xf32>
    %swap3A = arith.constant 0 : index
    %swap3A_38 = arith.constant 0 : index
    %swap3A_39 = vector.load %arg4[%swap3A, %swap3A_38] : memref<640x128xf32, #tpu.memory_space<vmem>>, vector<640x128xf32>
    tpu.vector_store %arg4[%swap3A, %swap3A_38], %concatenate3A_37 {strides = array<i32>} : memref<640x128xf32, #tpu.memory_space<vmem>>, vector<640x128xf32>,
    return
  }
  func.func @transform_0(%arg0: i32) -> (i32, i32) {
    %c0_i32 = arith.constant 0 : i32
    %c0_i32_0 = arith.constant 0 : i32
    return %arg0, %c0_i32 : i32, i32
  }
  func.func @transform_1(%arg0: i32) -> (i32, i32) {
    %c0_i32 = arith.constant 0 : i32
    %c0_i32_0 = arith.constant 0 : i32
    %c0_i32_1 = arith.constant 0 : i32
    return %c0_i32, %c0_i32_0 : i32, i32
  }
  func.func @transform_2(%arg0: i32) -> (i32, i32, i32) {
    %c0_i32 = arith.constant 0 : i32
    %c0_i32_0 = arith.constant 0 : i32
    %c0_i32_1 = arith.constant 0 : i32
    return %c0_i32, %arg0, %c0_i32_0 : i32, i32, i32
  }
  func.func @transform_3(%arg0: i32) -> (i32, i32) {
    %c0_i32 = arith.constant 0 : i32
    %c0_i32_0 = arith.constant 0 : i32
    return %arg0, %c0_i32 : i32, i32
  }
}

module attributes {stable_mosaic.version = 14 : i64} {
  func.func @_dense2_body(%arg0: i32, %arg1: memref<2x640x128xf32, #tpu.memory_space<vmem>>, %arg2: memref<640x128xf32, #tpu.memory_space<vmem>>, %arg3: memref<2x640x32xf32, #tpu.memory_space<vmem>>, %arg4: memref<1x64xf32, #tpu.memory_space<vmem>>, %arg5: memref<64x64xf32, #tpu.memory_space<vmem>>, %arg6: memref<640x128xf32, #tpu.memory_space<vmem>>) attributes {dimension_semantics = [#tpu.dimension_semantics<arbitrary>], iteration_bounds = array<i64: 8>, scalar_prefetch = 0 : i64, scratch_operands = 0 : i64, tpu.core_type = #tpu.core_type<tc>, window_params = [{transform_indices = @transform_0, window_bounds = array<i64: 2, 640, 128>}, {transform_indices = @transform_1, window_bounds = array<i64: 640, 128>}, {transform_indices = @transform_2, window_bounds = array<i64: 2, 640, 32>}, {pipeline_mode = #tpu.pipeline_mode<synchronous>, transform_indices = @transform_3, window_bounds = array<i64: 1, 64>}, {pipeline_mode = #tpu.pipeline_mode<synchronous>, transform_indices = @transform_4, window_bounds = array<i64: 64, 64>}, {transform_indices = @transform_5, window_bounds = array<i64: 640, 128>}]} {
    %get3A = arith.constant 0 : index
    %get3A_0 = arith.constant 0 : index
    %get3A_1 = arith.constant 0 : index
    %get3A_2 = vector.load %arg3[%get3A, %get3A_0, %get3A_1] : memref<2x640x32xf32, #tpu.memory_space<vmem>>, vector<1x640x1xf32>
    %get3A_3 = vector.shape_cast %get3A_2 : vector<1x640x1xf32> to vector<640x1xf32>
    %get3A_4 = arith.constant 1 : index
    %get3A_5 = arith.constant 0 : index
    %get3A_6 = arith.constant 0 : index
    %get3A_7 = vector.load %arg3[%get3A_4, %get3A_5, %get3A_6] : memref<2x640x32xf32, #tpu.memory_space<vmem>>, vector<1x640x1xf32>
    %get3A_8 = vector.shape_cast %get3A_7 : vector<1x640x1xf32> to vector<640x1xf32>
    %add3A = arith.addf %get3A_3, %get3A_8 : vector<640x1xf32>
    %add3A_9 = arith.constant 1.000000e+00 : f32
    %add3A_10 = vector.broadcast %add3A_9 : f32 to vector<640x1xf32>
    %add3A_11 = arith.addf %add3A, %add3A_10 : vector<640x1xf32>
    %get3A_12 = arith.constant 0 : index
    %get3A_13 = arith.constant 0 : index
    %get3A_14 = arith.constant 16 : index
    %get3A_15 = vector.load %arg3[%get3A_12, %get3A_13, %get3A_14] : memref<2x640x32xf32, #tpu.memory_space<vmem>>, vector<1x640x1xf32>
    %get3A_16 = vector.shape_cast %get3A_15 : vector<1x640x1xf32> to vector<640x1xf32>
    %get3A_17 = arith.constant 1 : index
    %get3A_18 = arith.constant 0 : index
    %get3A_19 = arith.constant 16 : index
    %get3A_20 = vector.load %arg3[%get3A_17, %get3A_18, %get3A_19] : memref<2x640x32xf32, #tpu.memory_space<vmem>>, vector<1x640x1xf32>
    %get3A_21 = vector.shape_cast %get3A_20 : vector<1x640x1xf32> to vector<640x1xf32>
    %add3A_22 = arith.addf %get3A_16, %get3A_21 : vector<640x1xf32>
    %add3A_23 = arith.constant 1.000000e+00 : f32
    %add3A_24 = vector.broadcast %add3A_23 : f32 to vector<640x1xf32>
    %add3A_25 = arith.addf %add3A_22, %add3A_24 : vector<640x1xf32>
    %concatenate3A = tpu.concatenate %add3A_11, %add3A_25 in 0 : vector<640x1xf32>, vector<640x1xf32> -> vector<1280x1xf32>
    %sqrt3A = math.sqrt %concatenate3A : vector<1280x1xf32>
    %div3A = arith.constant 1.000000e+00 : f32
    %div3A_26 = vector.broadcast %div3A : f32 to vector<1280x1xf32>
    %div3A_27 = arith.divf %div3A_26, %sqrt3A : vector<1280x1xf32>
    %get3A_28 = arith.constant 0 : index
    %get3A_29 = arith.constant 0 : index
    %get3A_30 = arith.constant 0 : index
    %get3A_31 = vector.load %arg1[%get3A_28, %get3A_29, %get3A_30] : memref<2x640x128xf32, #tpu.memory_space<vmem>>, vector<1x640x128xf32>
    %get3A_32 = vector.shape_cast %get3A_31 : vector<1x640x128xf32> to vector<640x128xf32>
    %get3A_33 = arith.constant 1 : index
    %get3A_34 = arith.constant 0 : index
    %get3A_35 = arith.constant 0 : index
    %get3A_36 = vector.load %arg1[%get3A_33, %get3A_34, %get3A_35] : memref<2x640x128xf32, #tpu.memory_space<vmem>>, vector<1x640x128xf32>
    %get3A_37 = vector.shape_cast %get3A_36 : vector<1x640x128xf32> to vector<640x128xf32>
    %add3A_38 = arith.addf %get3A_32, %get3A_37 : vector<640x128xf32>
    %get3A_39 = arith.constant 0 : index
    %get3A_40 = arith.constant 0 : index
    %get3A_41 = vector.load %arg2[%get3A_39, %get3A_40] : memref<640x128xf32, #tpu.memory_space<vmem>>, vector<640x128xf32>
    %add3A_42 = arith.addf %add3A_38, %get3A_41 : vector<640x128xf32>
    %slice3A = vector.extract_strided_slice %add3A_42 {offsets = [0, 0], sizes = [640, 64], strides = [1, 1]} : vector<640x128xf32> to vector<640x64xf32>
    %slice3A_43 = vector.extract_strided_slice %add3A_42 {offsets = [0, 64], sizes = [640, 64], strides = [1, 1]} : vector<640x128xf32> to vector<640x64xf32>
    %concatenate3A_44 = tpu.concatenate %slice3A, %slice3A_43 in 0 : vector<640x64xf32>, vector<640x64xf32> -> vector<1280x64xf32>
    %mul3A = vector.broadcast %div3A_27 : vector<1280x1xf32> to vector<1280x64xf32>
    %mul3A_45 = arith.mulf %concatenate3A_44, %mul3A : vector<1280x64xf32>
    %get3A_46 = arith.constant 0 : index
    %get3A_47 = arith.constant 0 : index
    %get3A_48 = vector.load %arg4[%get3A_46, %get3A_47] : memref<1x64xf32, #tpu.memory_space<vmem>>, vector<1x64xf32>
    %add3A_49 = vector.broadcast %get3A_48 : vector<1x64xf32> to vector<1280x64xf32>
    %add3A_50 = arith.addf %mul3A_45, %add3A_49 : vector<1280x64xf32>
    %max3A = arith.constant 0.000000e+00 : f32
    %max3A_51 = vector.broadcast %max3A : f32 to vector<1280x64xf32>
    %max3A_52 = arith.maximumf %add3A_50, %max3A_51 : vector<1280x64xf32>
    %get3A_53 = arith.constant 0 : index
    %get3A_54 = arith.constant 0 : index
    %get3A_55 = vector.load %arg5[%get3A_53, %get3A_54] : memref<64x64xf32, #tpu.memory_space<vmem>>, vector<64x64xf32>
    %dot_general3A = arith.constant dense<0.000000e+00> : vector<1280x64xf32>
    %dot_general3A_56 = tpu.matmul %max3A_52, %get3A_55, %dot_general3A {dimension_numbers = #tpu.dot_dimension_numbers<[1], [0], [0], [1], [0, 0, 1, 1], [], []>, transpose_lhs_hint = false} : vector<1280x64xf32>, vector<64x64xf32>, vector<1280x64xf32> -> vector<1280x64xf32>
    %mul3A_57 = vector.broadcast %div3A_27 : vector<1280x1xf32> to vector<1280x64xf32>
    %mul3A_58 = arith.mulf %dot_general3A_56, %mul3A_57 : vector<1280x64xf32>
    %slice3A_59 = vector.extract_strided_slice %mul3A_58 {offsets = [0, 0], sizes = [640, 64], strides = [1, 1]} : vector<1280x64xf32> to vector<640x64xf32>
    %slice3A_60 = vector.extract_strided_slice %mul3A_58 {offsets = [640, 0], sizes = [640, 64], strides = [1, 1]} : vector<1280x64xf32> to vector<640x64xf32>
    %concatenate3A_61 = tpu.concatenate %slice3A_59, %slice3A_60 in 1 : vector<640x64xf32>, vector<640x64xf32> -> vector<640x128xf32>
    %swap3A = arith.constant 0 : index
    %swap3A_62 = arith.constant 0 : index
    %swap3A_63 = vector.load %arg6[%swap3A, %swap3A_62] : memref<640x128xf32, #tpu.memory_space<vmem>>, vector<640x128xf32>
    tpu.vector_store %arg6[%swap3A, %swap3A_62], %concatenate3A_61 {strides = array<i32>} : memref<640x128xf32, #tpu.memory_space<vmem>>, vector<640x128xf32>,
    return
  }
  func.func @transform_0(%arg0: i32) -> (i32, i32, i32) {
    %c0_i32 = arith.constant 0 : i32
    %c0_i32_0 = arith.constant 0 : i32
    %c0_i32_1 = arith.constant 0 : i32
    return %c0_i32, %arg0, %c0_i32_0 : i32, i32, i32
  }
  func.func @transform_1(%arg0: i32) -> (i32, i32) {
    %c0_i32 = arith.constant 0 : i32
    %c0_i32_0 = arith.constant 0 : i32
    return %arg0, %c0_i32 : i32, i32
  }
  func.func @transform_2(%arg0: i32) -> (i32, i32, i32) {
    %c0_i32 = arith.constant 0 : i32
    %c0_i32_0 = arith.constant 0 : i32
    %c0_i32_1 = arith.constant 0 : i32
    return %c0_i32, %arg0, %c0_i32_0 : i32, i32, i32
  }
  func.func @transform_3(%arg0: i32) -> (i32, i32) {
    %c0_i32 = arith.constant 0 : i32
    %c0_i32_0 = arith.constant 0 : i32
    %c0_i32_1 = arith.constant 0 : i32
    return %c0_i32, %c0_i32_0 : i32, i32
  }
  func.func @transform_4(%arg0: i32) -> (i32, i32) {
    %c0_i32 = arith.constant 0 : i32
    %c0_i32_0 = arith.constant 0 : i32
    %c0_i32_1 = arith.constant 0 : i32
    return %c0_i32, %c0_i32_0 : i32, i32
  }
  func.func @transform_5(%arg0: i32) -> (i32, i32) {
    %c0_i32 = arith.constant 0 : i32
    %c0_i32_0 = arith.constant 0 : i32
    return %arg0, %c0_i32 : i32, i32
  }
}

module attributes {stable_mosaic.version = 14 : i64} {
  func.func @_dense3_body(%arg0: i32, %arg1: memref<2x640x128xf32, #tpu.memory_space<vmem>>, %arg2: memref<640x128xf32, #tpu.memory_space<vmem>>, %arg3: memref<2x640x32xf32, #tpu.memory_space<vmem>>, %arg4: memref<1x64xf32, #tpu.memory_space<vmem>>, %arg5: memref<1x1280xi32, #tpu.memory_space<vmem>>, %arg6: memref<64x1xf32, #tpu.memory_space<vmem>>, %arg7: memref<1x1xf32, #tpu.memory_space<vmem>>, %arg8: memref<64x1xf32, #tpu.memory_space<vmem>>, %arg9: memref<64x64xf32, #tpu.memory_space<vmem>>, %arg10: memref<64x1xf32, #tpu.memory_space<vmem>>) attributes {dimension_semantics = [#tpu.dimension_semantics<arbitrary>], iteration_bounds = array<i64: 8>, scalar_prefetch = 0 : i64, scratch_operands = 2 : i64, tpu.core_type = #tpu.core_type<tc>, window_params = [{transform_indices = @transform_0, window_bounds = array<i64: 2, 640, 128>}, {transform_indices = @transform_1, window_bounds = array<i64: 640, 128>}, {transform_indices = @transform_2, window_bounds = array<i64: 2, 640, 32>}, {pipeline_mode = #tpu.pipeline_mode<synchronous>, transform_indices = @transform_3, window_bounds = array<i64: 1, 64>}, {transform_indices = @transform_4, window_bounds = array<i64: 1, 1280>}, {pipeline_mode = #tpu.pipeline_mode<synchronous>, transform_indices = @transform_5, window_bounds = array<i64: 64, 1>}, {pipeline_mode = #tpu.pipeline_mode<synchronous>, transform_indices = @transform_6, window_bounds = array<i64: 1, 1>}, {pipeline_mode = #tpu.pipeline_mode<synchronous>, transform_indices = @transform_7, window_bounds = array<i64: 64, 1>}]} {
    %get3A = arith.constant 0 : index
    %get3A_0 = arith.constant 0 : index
    %get3A_1 = arith.constant 0 : index
    %get3A_2 = vector.load %arg3[%get3A, %get3A_0, %get3A_1] : memref<2x640x32xf32, #tpu.memory_space<vmem>>, vector<1x640x1xf32>
    %get3A_3 = vector.shape_cast %get3A_2 : vector<1x640x1xf32> to vector<640x1xf32>
    %get3A_4 = arith.constant 1 : index
    %get3A_5 = arith.constant 0 : index
    %get3A_6 = arith.constant 0 : index
    %get3A_7 = vector.load %arg3[%get3A_4, %get3A_5, %get3A_6] : memref<2x640x32xf32, #tpu.memory_space<vmem>>, vector<1x640x1xf32>
    %get3A_8 = vector.shape_cast %get3A_7 : vector<1x640x1xf32> to vector<640x1xf32>
    %add3A = arith.addf %get3A_3, %get3A_8 : vector<640x1xf32>
    %add3A_9 = arith.constant 1.000000e+00 : f32
    %add3A_10 = vector.broadcast %add3A_9 : f32 to vector<640x1xf32>
    %add3A_11 = arith.addf %add3A, %add3A_10 : vector<640x1xf32>
    %get3A_12 = arith.constant 0 : index
    %get3A_13 = arith.constant 0 : index
    %get3A_14 = arith.constant 16 : index
    %get3A_15 = vector.load %arg3[%get3A_12, %get3A_13, %get3A_14] : memref<2x640x32xf32, #tpu.memory_space<vmem>>, vector<1x640x1xf32>
    %get3A_16 = vector.shape_cast %get3A_15 : vector<1x640x1xf32> to vector<640x1xf32>
    %get3A_17 = arith.constant 1 : index
    %get3A_18 = arith.constant 0 : index
    %get3A_19 = arith.constant 16 : index
    %get3A_20 = vector.load %arg3[%get3A_17, %get3A_18, %get3A_19] : memref<2x640x32xf32, #tpu.memory_space<vmem>>, vector<1x640x1xf32>
    %get3A_21 = vector.shape_cast %get3A_20 : vector<1x640x1xf32> to vector<640x1xf32>
    %add3A_22 = arith.addf %get3A_16, %get3A_21 : vector<640x1xf32>
    %add3A_23 = arith.constant 1.000000e+00 : f32
    %add3A_24 = vector.broadcast %add3A_23 : f32 to vector<640x1xf32>
    %add3A_25 = arith.addf %add3A_22, %add3A_24 : vector<640x1xf32>
    %concatenate3A = tpu.concatenate %add3A_11, %add3A_25 in 0 : vector<640x1xf32>, vector<640x1xf32> -> vector<1280x1xf32>
    %sqrt3A = math.sqrt %concatenate3A : vector<1280x1xf32>
    %div3A = arith.constant 1.000000e+00 : f32
    %div3A_26 = vector.broadcast %div3A : f32 to vector<1280x1xf32>
    %div3A_27 = arith.divf %div3A_26, %sqrt3A : vector<1280x1xf32>
    %get3A_28 = arith.constant 0 : index
    %get3A_29 = arith.constant 0 : index
    %get3A_30 = arith.constant 0 : index
    %get3A_31 = vector.load %arg1[%get3A_28, %get3A_29, %get3A_30] : memref<2x640x128xf32, #tpu.memory_space<vmem>>, vector<1x640x128xf32>
    %get3A_32 = vector.shape_cast %get3A_31 : vector<1x640x128xf32> to vector<640x128xf32>
    %get3A_33 = arith.constant 1 : index
    %get3A_34 = arith.constant 0 : index
    %get3A_35 = arith.constant 0 : index
    %get3A_36 = vector.load %arg1[%get3A_33, %get3A_34, %get3A_35] : memref<2x640x128xf32, #tpu.memory_space<vmem>>, vector<1x640x128xf32>
    %get3A_37 = vector.shape_cast %get3A_36 : vector<1x640x128xf32> to vector<640x128xf32>
    %add3A_38 = arith.addf %get3A_32, %get3A_37 : vector<640x128xf32>
    %get3A_39 = arith.constant 0 : index
    %get3A_40 = arith.constant 0 : index
    %get3A_41 = vector.load %arg2[%get3A_39, %get3A_40] : memref<640x128xf32, #tpu.memory_space<vmem>>, vector<640x128xf32>
    %add3A_42 = arith.addf %add3A_38, %get3A_41 : vector<640x128xf32>
    %slice3A = vector.extract_strided_slice %add3A_42 {offsets = [0, 0], sizes = [640, 64], strides = [1, 1]} : vector<640x128xf32> to vector<640x64xf32>
    %slice3A_43 = vector.extract_strided_slice %add3A_42 {offsets = [0, 64], sizes = [640, 64], strides = [1, 1]} : vector<640x128xf32> to vector<640x64xf32>
    %concatenate3A_44 = tpu.concatenate %slice3A, %slice3A_43 in 0 : vector<640x64xf32>, vector<640x64xf32> -> vector<1280x64xf32>
    %mul3A = vector.broadcast %div3A_27 : vector<1280x1xf32> to vector<1280x64xf32>
    %mul3A_45 = arith.mulf %concatenate3A_44, %mul3A : vector<1280x64xf32>
    %get3A_46 = arith.constant 0 : index
    %get3A_47 = arith.constant 0 : index
    %get3A_48 = vector.load %arg4[%get3A_46, %get3A_47] : memref<1x64xf32, #tpu.memory_space<vmem>>, vector<1x64xf32>
    %add3A_49 = vector.broadcast %get3A_48 : vector<1x64xf32> to vector<1280x64xf32>
    %add3A_50 = arith.addf %mul3A_45, %add3A_49 : vector<1280x64xf32>
    %max3A = arith.constant 0.000000e+00 : f32
    %max3A_51 = vector.broadcast %max3A : f32 to vector<1280x64xf32>
    %max3A_52 = arith.maximumf %add3A_50, %max3A_51 : vector<1280x64xf32>
    %iota3A = tpu.iota {dimensions = array<i32: 0>} : vector<1280x1xi32>
    %mul3A_53 = arith.constant 1280 : i32
    %mul3A_54 = arith.muli %arg0, %mul3A_53 : i32
    %add3A_55 = vector.broadcast %mul3A_54 : i32 to vector<1280x1xi32>
    %add3A_56 = arith.addi %iota3A, %add3A_55 : vector<1280x1xi32>
    %lt3A = arith.constant 10000 : i32
    %lt3A_57 = vector.broadcast %lt3A : i32 to vector<1280x1xi32>
    %lt3A_58 = arith.cmpi slt, %add3A_56, %lt3A_57 : vector<1280x1xi32>
    %jit3A = arith.constant 0.000000e+00 : f32
    %broadcast_in_dim3A = vector.shape_cast %lt3A_58 : vector<1280x1xi1> to vector<1280x1xi1>
    %broadcast_in_dim3A_59 = vector.broadcast %broadcast_in_dim3A : vector<1280x1xi1> to vector<1280x64xi1>
    %broadcast_in_dim3A_60 = vector.broadcast %jit3A : f32 to vector<1280x64xf32>
    %select_n3A = arith.select %broadcast_in_dim3A_59, %max3A_52, %broadcast_in_dim3A_60 : vector<1280x64xi1>, vector<1280x64xf32>
    %iota3A_61 = tpu.iota {dimensions = array<i32: 0>} : vector<64x1280xi32>
    %iota3A_62 = tpu.iota {dimensions = array<i32: 1>} : vector<64x1280xi32>
    %mul3A_63 = arith.constant 1280 : i32
    %mul3A_64 = arith.muli %arg0, %mul3A_63 : i32
    %add3A_65 = vector.broadcast %mul3A_64 : i32 to vector<64x1280xi32>
    %add3A_66 = arith.addi %iota3A_62, %add3A_65 : vector<64x1280xi32>
    %get3A_67 = arith.constant 0 : index
    %get3A_68 = arith.constant 0 : index
    %get3A_69 = vector.load %arg5[%get3A_67, %get3A_68] : memref<1x1280xi32, #tpu.memory_space<vmem>>, vector<1x1280xi32>
    %eq3A = vector.broadcast %get3A_69 : vector<1x1280xi32> to vector<64x1280xi32>
    %eq3A_70 = arith.cmpi eq, %eq3A, %iota3A_61 : vector<64x1280xi32>
    %lt3A_71 = arith.constant 10000 : i32
    %lt3A_72 = vector.broadcast %lt3A_71 : i32 to vector<64x1280xi32>
    %lt3A_73 = arith.cmpi slt, %add3A_66, %lt3A_72 : vector<64x1280xi32>
    %and3A = arith.andi %eq3A_70, %lt3A_73 : vector<64x1280xi1>
    %convert_element_type3A = arith.extui %and3A : vector<64x1280xi1> to vector<64x1280xi32>
    %convert_element_type3A_74 = arith.sitofp %convert_element_type3A : vector<64x1280xi32> to vector<64x1280xf32>
    %dot_general3A = arith.constant dense<0.000000e+00> : vector<64x64xf32>
    %dot_general3A_75 = tpu.matmul %convert_element_type3A_74, %select_n3A, %dot_general3A {dimension_numbers = #tpu.dot_dimension_numbers<[1], [0], [0], [1], [0, 0, 1, 1], [], []>, precision = #tpu.contract_precision<fp32>, transpose_lhs_hint = false} : vector<64x1280xf32>, vector<1280x64xf32>, vector<64x64xf32> -> vector<64x64xf32>
    %reduce_sum3A = arith.constant dense<0.000000e+00> : vector<64xf32>
    %reduce_sum3A_76 = vector.multi_reduction <add>, %convert_element_type3A_74, %reduce_sum3A [1] : vector<64x1280xf32> to vector<64xf32>
    %broadcast_in_dim3A_77 = vector.shape_cast %reduce_sum3A_76 : vector<64xf32> to vector<64x1xf32>
    %eq3A_78 = arith.constant 0 : i32
    %eq3A_79 = arith.cmpi eq, %arg0, %eq3A_78 : i32
    %convert_element_type3A_80 = arith.extui %eq3A_79 : i1 to i32
    %cond3A = arith.constant 0 : i32
    %cond3A_81 = arith.cmpi ne, %convert_element_type3A_80, %cond3A : i32
    scf.if %cond3A_81 {
      %swap3A = arith.constant 0 : index
      %swap3A_91 = arith.constant 0 : index
      %swap3A_92 = vector.load %arg9[%swap3A, %swap3A_91] : memref<64x64xf32, #tpu.memory_space<vmem>>, vector<64x64xf32>
      tpu.vector_store %arg9[%swap3A, %swap3A_91], %dot_general3A_75 {strides = array<i32>} : memref<64x64xf32, #tpu.memory_space<vmem>>, vector<64x64xf32>,
      %swap3A_93 = arith.constant 0 : index
      %swap3A_94 = arith.constant 0 : index
      %swap3A_95 = vector.load %arg10[%swap3A_93, %swap3A_94] : memref<64x1xf32, #tpu.memory_space<vmem>>, vector<64x1xf32>
      tpu.vector_store %arg10[%swap3A_93, %swap3A_94], %broadcast_in_dim3A_77 {strides = array<i32>} : memref<64x1xf32, #tpu.memory_space<vmem>>, vector<64x1xf32>,
    } else {
    }
    %gt3A = arith.constant 0 : i32
    %gt3A_82 = arith.cmpi sgt, %arg0, %gt3A : i32
    %convert_element_type3A_83 = arith.extui %gt3A_82 : i1 to i32
    %cond3A_84 = arith.constant 0 : i32
    %cond3A_85 = arith.cmpi ne, %convert_element_type3A_83, %cond3A_84 : i32
    scf.if %cond3A_85 {
      %get3A_91 = arith.constant 0 : index
      %get3A_92 = arith.constant 0 : index
      %get3A_93 = vector.load %arg9[%get3A_91, %get3A_92] : memref<64x64xf32, #tpu.memory_space<vmem>>, vector<64x64xf32>
      %add3A_94 = arith.addf %get3A_93, %dot_general3A_75 : vector<64x64xf32>
      %swap3A = arith.constant 0 : index
      %swap3A_95 = arith.constant 0 : index
      %swap3A_96 = vector.load %arg9[%swap3A, %swap3A_95] : memref<64x64xf32, #tpu.memory_space<vmem>>, vector<64x64xf32>
      tpu.vector_store %arg9[%swap3A, %swap3A_95], %add3A_94 {strides = array<i32>} : memref<64x64xf32, #tpu.memory_space<vmem>>, vector<64x64xf32>,
      %get3A_97 = arith.constant 0 : index
      %get3A_98 = arith.constant 0 : index
      %get3A_99 = vector.load %arg10[%get3A_97, %get3A_98] : memref<64x1xf32, #tpu.memory_space<vmem>>, vector<64x1xf32>
      %add3A_100 = arith.addf %get3A_99, %broadcast_in_dim3A_77 : vector<64x1xf32>
      %swap3A_101 = arith.constant 0 : index
      %swap3A_102 = arith.constant 0 : index
      %swap3A_103 = vector.load %arg10[%swap3A_101, %swap3A_102] : memref<64x1xf32, #tpu.memory_space<vmem>>, vector<64x1xf32>
      tpu.vector_store %arg10[%swap3A_101, %swap3A_102], %add3A_100 {strides = array<i32>} : memref<64x1xf32, #tpu.memory_space<vmem>>, vector<64x1xf32>,
    } else {
    }
    %eq3A_86 = arith.constant 7 : i32
    %eq3A_87 = arith.cmpi eq, %arg0, %eq3A_86 : i32
    %convert_element_type3A_88 = arith.extui %eq3A_87 : i1 to i32
    %cond3A_89 = arith.constant 0 : i32
    %cond3A_90 = arith.cmpi ne, %convert_element_type3A_88, %cond3A_89 : i32
    scf.if %cond3A_90 {
      %get3A_91 = arith.constant 0 : index
      %get3A_92 = arith.constant 0 : index
      %get3A_93 = vector.load %arg9[%get3A_91, %get3A_92] : memref<64x64xf32, #tpu.memory_space<vmem>>, vector<64x64xf32>
      %get3A_94 = arith.constant 0 : index
      %get3A_95 = arith.constant 0 : index
      %get3A_96 = vector.load %arg10[%get3A_94, %get3A_95] : memref<64x1xf32, #tpu.memory_space<vmem>>, vector<64x1xf32>
      %max3A_97 = arith.constant 1.000000e+00 : f32
      %max3A_98 = vector.broadcast %max3A_97 : f32 to vector<64x1xf32>
      %max3A_99 = arith.maximumf %get3A_96, %max3A_98 : vector<64x1xf32>
      %div3A_100 = vector.broadcast %max3A_99 : vector<64x1xf32> to vector<64x64xf32>
      %div3A_101 = arith.divf %get3A_93, %div3A_100 : vector<64x64xf32>
      %get3A_102 = arith.constant 0 : index
      %get3A_103 = arith.constant 0 : index
      %get3A_104 = vector.load %arg6[%get3A_102, %get3A_103] : memref<64x1xf32, #tpu.memory_space<vmem>>, vector<64x1xf32>
      %dot_general3A_105 = arith.constant dense<0.000000e+00> : vector<64x1xf32>
      %dot_general3A_106 = tpu.matmul %div3A_101, %get3A_104, %dot_general3A_105 {dimension_numbers = #tpu.dot_dimension_numbers<[1], [0], [0], [1], [0, 0, 1, 1], [], []>, transpose_lhs_hint = false} : vector<64x64xf32>, vector<64x1xf32>, vector<64x1xf32> -> vector<64x1xf32>
      %get3A_107 = arith.constant 0 : index
      %get3A_108 = arith.constant 0 : index
      %get3A_109 = vector.load %arg7[%get3A_107, %get3A_108] : memref<1x1xf32, #tpu.memory_space<vmem>>, vector<1x1xf32>
      %add3A_110 = vector.broadcast %get3A_109 : vector<1x1xf32> to vector<64x1xf32>
      %add3A_111 = arith.addf %dot_general3A_106, %add3A_110 : vector<64x1xf32>
      %swap3A = arith.constant 0 : index
      %swap3A_112 = arith.constant 0 : index
      %swap3A_113 = vector.load %arg8[%swap3A, %swap3A_112] : memref<64x1xf32, #tpu.memory_space<vmem>>, vector<64x1xf32>
      tpu.vector_store %arg8[%swap3A, %swap3A_112], %add3A_111 {strides = array<i32>} : memref<64x1xf32, #tpu.memory_space<vmem>>, vector<64x1xf32>,
    } else {
    }
    return
  }
  func.func @transform_0(%arg0: i32) -> (i32, i32, i32) {
    %c0_i32 = arith.constant 0 : i32
    %c0_i32_0 = arith.constant 0 : i32
    %c0_i32_1 = arith.constant 0 : i32
    return %c0_i32, %arg0, %c0_i32_0 : i32, i32, i32
  }
  func.func @transform_1(%arg0: i32) -> (i32, i32) {
    %c0_i32 = arith.constant 0 : i32
    %c0_i32_0 = arith.constant 0 : i32
    return %arg0, %c0_i32 : i32, i32
  }
  func.func @transform_2(%arg0: i32) -> (i32, i32, i32) {
    %c0_i32 = arith.constant 0 : i32
    %c0_i32_0 = arith.constant 0 : i32
    %c0_i32_1 = arith.constant 0 : i32
    return %c0_i32, %arg0, %c0_i32_0 : i32, i32, i32
  }
  func.func @transform_3(%arg0: i32) -> (i32, i32) {
    %c0_i32 = arith.constant 0 : i32
    %c0_i32_0 = arith.constant 0 : i32
    %c0_i32_1 = arith.constant 0 : i32
    return %c0_i32, %c0_i32_0 : i32, i32
  }
  func.func @transform_4(%arg0: i32) -> (i32, i32) {
    %c0_i32 = arith.constant 0 : i32
    %c0_i32_0 = arith.constant 0 : i32
    return %c0_i32, %arg0 : i32, i32
  }
  func.func @transform_5(%arg0: i32) -> (i32, i32) {
    %c0_i32 = arith.constant 0 : i32
    %c0_i32_0 = arith.constant 0 : i32
    %c0_i32_1 = arith.constant 0 : i32
    return %c0_i32, %c0_i32_0 : i32, i32
  }
  func.func @transform_6(%arg0: i32) -> (i32, i32) {
    %c0_i32 = arith.constant 0 : i32
    %c0_i32_0 = arith.constant 0 : i32
    %c0_i32_1 = arith.constant 0 : i32
    return %c0_i32, %c0_i32_0 : i32, i32
  }
  func.func @transform_7(%arg0: i32) -> (i32, i32) {
    %c0_i32 = arith.constant 0 : i32
    %c0_i32_0 = arith.constant 0 : i32
    %c0_i32_1 = arith.constant 0 : i32
    return %c0_i32, %c0_i32_0 : i32, i32
  }
}

</mosaic_0001>

<sc_bundles>
// kernel: kernel.11.cloned.1.call-start
scs
__scs_entry_jumppad:
0x0: {  	(pc) =	sbr.rel $0x88, $3  }
0x1: {  	(tag) =	ssettag $0x0;
	lr =	simm.s32 $0x1  }
0x2: {  	[smem:$0x3F98] =	sst lr;
	_ =	strace $0xD0000000  }
0x3: {  	_ = 	snop  }
0x4: {  	_ = 	snop  }
0x5: {  	_ = 	snop  }
0x6: {  	_ = 	snop  }
0x7: {  	_ = 	snop  }
__scs_overlays_trampoline_lowered:
0x8: {  	[smem:$0x3FA7] =	sst s0  }
0x9: {  	[smem:$0x3FA8] =	sst s1  }
0xa: {  	[smem:$0x3FA9] =	sst s2  }
0xb: {  	[smem:$0x3FAA] =	sst s3  }
0xc: {  	[smem:$0x3FAB] =	sst s4  }
0xd: {  	[smem:$0x3FAC] =	sst s5  }
0xe: {  	[smem:$0x3FAD] =	sst s6  }
0xf: {  	[smem:$0x3FAE] =	sst s7  }
0x10: {  	[smem:$0x3FAF] =	sst s8  }
0x11: {  	[smem:$0x3FB0] =	sst s9;
	s0 =	simm.s32 @!p0 $0x0  }
0x12: {  	s1 =	sld [smem:$0x3F96];
	s0 =	simm.s32 @p0 $0x1  }
0x13: {  	[smem:$0x3FB1] =	sst s0;
	s0 =	simm.s32 @!p1 $0x0  }
0x14: {  	s2 =	sld [smem:$0x3F95];
	s0 =	simm.s32 @p1 $0x1  }
0x15: {  	[smem:$0x3FB2] =	sst s0;
	s0 =	simm.s32 @!p2 $0x0  }
0x16: {  	s3 =	sld [smem:$0x3FDB];
	s0 =	simm.s32 @p2 $0x1  }
0x17: {  	s4 =	simm.s32 $0x1BF5;
	[smem:$0x3FB4] =	sst s0  }
0x18: {  	s0 =	sld [smem:$0x3F97];
	_ =	swait.ge [sflag:s4], $0x0  }
0x19: {  	s7 =	sld [smem:$0x3F98]  }
0x1a: {  	s8 =	sadd.s32 $0xFFFFE003, lr  }
0x1b: {  	s9 =	sadd.s32 $0xFFFFFEF7, lr;
	s5 =	simm.s32 $0xFFFFFFFF;
	p2 =	slt.u32 s8, $0xFFFFF086  }
0x1c: {  	p1 =	slt.u32 s9, $0xF7A;
	s5 =	simm.s32 @!p2 $0x0  }
0x1d: {  	s5 =	simm.s32 @p1 $0x1;
	p0 =	seq.s32 s7, s2  }
0x1e: {  	s7 =	smul.u32 @!p0 $0xF7A, s2;
	p2 =	seq.s32 @!p0 s5, $0x0  }
0x1f: {  	s9 =	smul.u32 $0xF7A, s1;
	s8 =	simm.s32 @!p0 $0x1BF5;
	p2 =	por !p2, p0  }
0x20: {  	[sflag:s8] =	ssyncset.s32 @!p0 $0xFFFFF086;
	s6 =	sadd.s32 @!p0 s3, s7;
	s7 =	simm.s32 @!p0 $0x108  }
0x21: {  	s3 =	sadd.s32 s3, s9;
	s6 =	sadd.s32 @!p0 $0x88, s6;
	s7 =	simm.s32 @p2 $0x1082  }
0x22: {  	[simem:s7], [sflag:s8] =	dma.local @!p0 [hbm:s6], $0xF7A  }
0x23: {  	s9 =	sor.u32 $0xD0000000, s2;
	s6 =	simm.s32 $0x108;
	_ =	swait.ge @!p0 [sflag:s8], $0x0  }
0x24: {  	s3 =	sadd.s32 $0x88, s3;
	s6 =	simm.s32 @!p1 $0x1082;
	[sflag:s4] =	ssyncset.s32 $0xFFFFF086  }
0x25: {  	[simem:s6], [sflag:s4] =	dma.local [hbm:s3], $0xF7A  }
0x26: {  	[smem:$0x3F98] =	sst s1;
	(tag) =	ssettag s2;
	_ =	strace s9  }
0x27: {  	s1 =	sld [smem:$0x3FA8]  }
0x28: {  	s2 =	sld [smem:$0x3FA9]  }
0x29: {  	s4 =	sld [smem:$0x3FAB]  }
0x2a: {  	p0 =	seq.s32 s5, $0x0;
	s5 =	sld [smem:$0x3FAC]  }
0x2b: {  	s6 =	sld [smem:$0x3FAD]  }
0x2c: {  	s7 =	sld [smem:$0x3FAE]  }
0x2d: {  	s3 =	simm.s32 $0x108;
	s8 =	sld [smem:$0x3FAF]  }
0x2e: {  	s3 =	simm.s32 @!p0 $0x1082;
	s9 =	sld [smem:$0x3FB0]  }
0x2f: {  	lr =	sadd.s32 s0, s3;
	s0 =	sld [smem:$0x3FA7]  }
0x30: {  	s3 =	sld [smem:$0x3FAA]  }
0x31: {  	[smem:$0x3FB3] =	sst s10  }
0x32: {  	s10 =	sld [smem:$0x3FB1];
	_ =	sdelay $0x3  }
0x33: {  	p0 =	seq.s32 s10, $0x1;
	s10 =	sld [smem:$0x3FB3];
	_ =	sdelay $0x3  }
0x34: {  	[smem:$0x3FB3] =	sst s10  }
0x35: {  	s10 =	sld [smem:$0x3FB2];
	_ =	sdelay $0x3  }
0x36: {  	p1 =	seq.s32 s10, $0x1;
	s10 =	sld [smem:$0x3FB3];
	_ =	sdelay $0x3  }
0x37: {  	[smem:$0x3FB3] =	sst s10  }
0x38: {  	s10 =	sld [smem:$0x3FB4]  }
0x39: {  	_ = 	snop;
	(pc) =	sbr.ind lr, $3  }
0x3a: {  	_ = 	snop  }
0x3b: {  	_ = 	snop  }
0x3c: {  	p2 =	seq.s32 s10, $0x1;
	s10 =	sld [smem:$0x3FB3]  }
0x3d: {  	_ =	shalt  }
0x3e: {  	_ =	shalt  }
0x3f: {  	_ =	shalt  }
0x40: {  	_ =	shalt  }
0x41: {  	_ =	shalt  }
0x42: {  	_ =	shalt  }
0x43: {  	_ =	shalt  }
0x44: {  	_ =	shalt  }
0x45: {  	_ =	shalt  }
0x46: {  	_ =	shalt  }
0x47: {  	_ =	shalt  }
0x48: {  	_ =	shalt  }
0x49: {  	_ =	shalt  }
0x4a: {  	_ =	shalt  }
0x4b: {  	_ =	shalt  }
0x4c: {  	_ =	shalt  }
0x4d: {  	_ =	shalt  }
0x4e: {  	_ =	shalt  }
0x4f: {  	_ =	shalt  }
0x50: {  	_ =	shalt  }
0x51: {  	_ =	shalt  }
0x52: {  	_ =	shalt  }
0x53: {  	_ =	shalt  }
0x54: {  	_ =	shalt  }
0x55: {  	_ =	shalt  }
0x56: {  	_ =	shalt  }
0x57: {  	_ =	shalt  }
0x58: {  	_ =	shalt  }
0x59: {  	_ =	shalt  }
0x5a: {  	_ =	shalt  }
0x5b: {  	_ =	shalt  }
0x5c: {  	_ =	shalt  }
0x5d: {  	_ =	shalt  }
0x5e: {  	_ =	shalt  }
0x5f: {  	_ =	shalt  }
0x60: {  	_ =	shalt  }
0x61: {  	_ =	shalt  }
0x62: {  	_ =	shalt  }
0x63: {  	_ =	shalt  }
0x64: {  	_ =	shalt  }
0x65: {  	_ =	shalt  }
0x66: {  	_ =	shalt  }
0x67: {  	_ =	shalt  }
0x68: {  	_ =	shalt  }
0x69: {  	_ =	shalt  }
0x6a: {  	_ =	shalt  }
0x6b: {  	_ =	shalt  }
0x6c: {  	_ =	shalt  }
0x6d: {  	_ =	shalt  }
0x6e: {  	_ =	shalt  }
0x6f: {  	_ =	shalt  }
0x70: {  	_ =	shalt  }
0x71: {  	_ =	shalt  }
0x72: {  	_ =	shalt  }
0x73: {  	_ =	shalt  }
0x74: {  	_ =	shalt  }
0x75: {  	_ =	shalt  }
0x76: {  	_ =	shalt  }
0x77: {  	_ =	shalt  }
0x78: {  	_ =	shalt  }
0x79: {  	_ =	shalt  }
0x7a: {  	_ =	shalt  }
0x7b: {  	_ =	shalt  }
0x7c: {  	_ =	shalt  }
0x7d: {  	_ =	shalt  }
0x7e: {  	_ =	shalt  }
0x7f: {  	_ =	shalt  }
0x80: {  	_ =	shalt  }
0x81: {  	_ =	shalt  }
0x82: {  	_ =	shalt  }
0x83: {  	_ =	shalt  }
0x84: {  	_ =	shalt  }
0x85: {  	_ =	shalt  }
0x86: {  	_ =	shalt  }
0x87: {  	_ =	shalt  }
.Lfunc_end0:
.L_simem_size_0:
called_computation.1_lowered:
.L_overlay_start_0:
0x88: {  	s2 =	sld [smem:$0x3FD9]  }
0x89: {  	s3 =	sld [smem:$0x3FFE];
	_ =	sdelay $0x1  }
0x8a: {  	s1 =	srdreg.scid  }
0x8b: {  	s0 =	sand.u32 $0x1, s1  }
0x8c: {  	s16 =	sshll.u32 s0, $0xA;
	s2 =	sadd.s32 s3, s2  }
0x8d: {  	s2 =	sadd.s32 s2, s16  }
0x8e: {  	[smem:$0x3FBF] =	sst s2  }
0x8f: {  	_ = 	snop  }
0x90: {  	(tm) =	ssettm $0x1  }
0x91: {  	s17 =	sld [smem:$0x3FFB];
	_ =	sdelay $0x3  }
0x92: {  	_ =	strace s17  }
0x93: {  	s2 =	sld [smem:$0x3FFC];
	_ =	sdelay $0x3  }
0x94: {  	_ =	strace s2  }
0x95: {  	s2 =	sld [smem:$0x3FFD];
	_ =	sdelay $0x3  }
0x96: {  	_ =	strace s2  }
0x97: {  	_ =	strace $0x8FFFFFFF  }
0x98: {  	s18 =	sld [smem:$0x3FDB];
	_ =	sdelay $0x1  }
0x99: {  	s19 =	simm.s32 $_scs_section_size  }
0x9a: {  	s4 =	simm.s32 $_size__tile_overlayer_lowered;
	s5 =	simm.s32 $_tile_overlayer_lowered  }
0x9b: {  	s22 =	simm.s32 $0x1BFF;
	s21 =	sshll.u32 s5, $0x1;
	s2 =	sadd.s32 s19, s18  }
0x9c: {  	s6 =	simm.s32 $0x0;
	s20 =	sshll.u32 s4, $0x1;
	s4 =	sadd.s32 s21, s2  }
0x9d: {  	[timem:s6], [sflag:s22] =	dma.local [hbm:s4], s20  }
0x9e: {  	_ =	swait.ge [sflag:s22], s20  }
0x9f: {  	s3 =	ssub.s32 $0x0, s20;
	[sflag:s22] =	ssyncset.done $0x0  }
0xa0: {  	[sflag:s22] =	ssyncadd.s32 s3;
	_ =	sdelay $0x1  }
0xa1: {  	s23 =	simm.s32 $0x1B8B  }
0xa2: {  	_ =	swait.ge [sflag:s23], $0x1  }
0xa3: {  	[sflag:s23] =	ssyncset.done $0x0  }
0xa4: {  	s25 =	simm.s32 $0x1B8E;
	s24 =	sld [smem:$0x3FFE];
	[sflag:s23] =	ssyncadd.s32 $0xFFFFFFFF  }
0xa5: {  	s26 =	simm.s32 $execute0_lowered;
	[smem:$0x3FD2] =	sst s25  }
0xa6: {  	s4 =	sshll.u32 s26, $0x1;
	_ =	strace $0x80000049;
	[dreg:$0x1] =	wrdreg $0xFFFFFFFF  }
0xa7: {  	s28 =	simm.s32 $_size_execute0_lowered;
	s2 =	sadd.s32 s2, s4;
	[dreg:$0x0] =	wrdreg $0x0  }
0xa8: {  	s4 =	sshll.u32 s28, $0x1;
	[dreg:$0x2] =	wrdreg s2  }
0xa9: {  	[dreg:$0x3] =	wrdreg s4  }
0xaa: {  	[dreg:$0x4] =	wrdreg $0xC0  }
0xab: {  	_ =	task [dreg:s6], $0x5FFFF  }
0xac: {  	[dreg:$0x1] =	wrdreg $0xFFFFFFFF  }
0xad: {  	[dreg:$0x0] =	wrdreg $0x60  }
0xae: {  	[dreg:$0x2] =	wrdreg s24  }
0xaf: {  	[dreg:$0x3] =	wrdreg $0xB2200  }
0xb0: {  	[dreg:$0x4] =	wrdreg $0x9  }
0xb1: {  	_ =	task.clear_ibuf [dreg:s6], $0x5FFFF;
	_ =	strace $0x90000049  }
0xb2: {  	s29 =	simm.s32 $0x9;
	_ =	strace $0x8000004B  }
0xb3: {  	_ =	swait.ge [sflag:s29], $0x1  }
0xb4: {  	[sflag:s29] =	ssyncadd.s32 $0xFFFFFFFF  }
0xb5: {  	_ =	strace $0x9000004B  }
0xb6: {  	_ =	sfence  }
0xb7: {  	s30 =	sld [smem:$0x0];
	_ =	sdelay $0x2  }
0xb8: {  	s31 =	sshll.u32 s1, $0xD;
	s1 =	sshrl.u32 s1, $0x2  }
0xb9: {  	s3 =	sand.u32 $0x4000, s31;
	s1 =	sadd.s32 s1, s30  }
0xba: {  	s0 =	sor.u32 s3, s0;
	s1 =	sshll.u32 s1, $0x11  }
0xbb: {  	s0 =	sor.u32 s1, s0  }
0xbc: {  	s0 =	sadd.s32 $0x8F2B, s0  }
0xbd: {  	[sflag:s0] =	ssyncadd.remote.s32 $0x1  }
0xbe: {  	_ =	sfence.sel $0xFFFF  }
0xbf: {  	[dreg:$0x0] =	wrdreg $0xFFFFFFFF;
	(pc) =	sbr.abs _section_cstart, $3  }
0xc0: {  	[dreg:$0x1] =	wrdreg $0xFFFFFFFF  }
0xc1: {  	_ =	task.clear_ibuf [dreg:s6], $0x2FFFF;
	_ =	strace $0x9FFFFFFF  }
0xc2: {  	(tm) =	ssettm $0x7FFFFFFF  }
0xc3: {  	_ =	shalt  }
tec
execute0_lowered:
.L_overlay_start_1:
0x0: {  	(tag) =	ssettag $0x1  }
0x1: {  	s0 =	srdreg.scid;
	s5 =	rddreg [dreg:$0x0]  }
0x2: {  	s11 =	stileid.u32;
	s2 =	rddreg [dreg:$0x1];
	s3 =	simm.s32 $0x0  }
0x3: {  	s14 =	simm.s32 $0x50;
	s15 =	simm.s32 $0x4E20;
	s16 =	simm.s32 $0x6220  }
0x4: {  	s18 =	simm.s32 $0x7620;
	s20 =	simm.s32 $0x8A20;
	s22 =	simm.s32 $0x9E20  }
0x5: {  	s23 =	simm.s32 $0x1;
	s24 =	simm.s32 $0x2;
	s28 =	simm.s32 $0x5  }
0x6: {  	s29 =	simm.s32 $0x4C90;
	s30 =	simm.s32 $0x4CE0;
	s31 =	simm.s32 $0x4D30  }
0x7: {  	s0 =	sand.u32 $0x1, s0;
	s1 =	sshll.u32 s11, $0x1;
	s7 =	smul.u32 $0xA000, s11  }
0x8: {  	[smem:$0x7FF] =	sst s3;
	s4 =	sadd.s32 $0x25200, s5;
	s26 =	sshll.u32 s11, $0x6  }
0x9: {  	s11 =	simm.s32 $0x0;
	s1 =	sor.u32 s0, s1;
	s6 =	smul.u32 $0xA0000, s0  }
0xa: {  	_ =	strace $0x8000004A;
	s0 =	ssub.s32 $0x2, s0;
	s12 =	sor.u32 $0x1C06, s26  }
0xb: {  	s26 =	simm.s32 $0x4;
	s1 =	smul.u32 $0x4E2, s1;
	s8 =	sshrl.u32 s7, $0x3  }
0xc: {  	s9 =	sshrl.u32 s0, $0x1;
	s25 =	sadd.s32 s7, s2;
	s6 =	sadd.s32 s7, s6  }
0xd: {  	s8 =	sadd.s32 s8, s5;
	s0 =	ssub.s32 s0, s9;
	s13 =	sshrl.u32 s25, $0x3  }
0xe: {  	s25 =	simm.s32 $0x3;
	s1 =	sadd.s32 s1, s5;
	s6 =	sshrl.u32 s6, $0x3  }
0xf: {  	s7 =	sadd.s32 $0x39200, s8;
	s9 =	smax.u32 s0, $0x1;
	s0 =	simm.s32 $0x4DD0  }
0x10: {  	s10 =	sadd.s32 s6, s5;
	s5 =	sadd.s32 $0x1B400, s1;
	s6 =	sadd.s32 $0x2400, s1  }
0x11: {  	s1 =	simm.s32 $0x4D80;
	s8 =	sadd.s32 $0x4D200, s10;
	s10 =	simm.s32 $0x6  }
.LBB2_1:
0x12: {  	[tilespmem:s3], [sflag:$0x6] =	stream.linear.gather [hbm4b:s5+s3], $0x2710, $0x38;
	[tilespmem:$0x15220] =	vst v63  }
0x13: {  	_ =	swait.ge [sflag:s10], $0x2710  }
0x14: {  	[sflag:s10] =	ssyncset.done $0x0  }
0x15: {  	s17 =	simm.s32 $0x2710;
	[sflag:s10] =	ssyncadd.s32 $0xFFFFD8F0  }
0x16: {  	[tilespmem:s17], [sflag:$0x6] =	stream.linear.gather [hbm4b:s6+s3], $0x2710, $0x38;
	[tilespmem:$0x15220] =	vst v63  }
0x17: {  	_ =	swait.ge [sflag:s10], $0x2710  }
0x18: {  	[sflag:s10] =	ssyncset.done $0x0  }
0x19: {  	[sflag:s10] =	ssyncadd.s32 $0xFFFFD8F0  }
0x1a: {  	[spmem:s13], [sflag:s12] =	dma.local [hbm:s7], $0x1400  }
0x1b: {  	_ =	swait.ge [sflag:s10], $0x1400  }
0x1c: {  	[sflag:s10] =	ssyncset.done $0x0  }
0x1d: {  	[sflag:s10] =	ssyncadd.s32 $0xFFFFEC00  }
0x1e: {  	[bflag:$0x0] =	sbarrier.arrive $0xFFFF  }
0x1f: {  	[tilespmem:s15], [sflag:$0x1] =	stream.indirect.gather [hbm4b:s4+s14], $0x40, s3, s14, $0xb8;
	[tilespmem:$0x15220] =	vst v63  }
0x20: {  	_ = 	snop  }
0x21: {  	[tilespmem:s16], [sflag:$0x2] =	stream.indirect.gather [hbm4b:s4+s14], $0x40, s14, s14, $0xb8;
	[tilespmem:$0x15220] =	vst v63  }
0x22: {  	s19 =	simm.s32 $0xA0  }
0x23: {  	[tilespmem:s18], [sflag:$0x3] =	stream.indirect.gather [hbm4b:s4+s14], $0x40, s19, s14, $0xb8;
	[tilespmem:$0x15220] =	vst v63  }
0x24: {  	s21 =	simm.s32 $0xF0  }
0x25: {  	[tilespmem:s20], [sflag:$0x4] =	stream.indirect.gather [hbm4b:s4+s14], $0x40, s21, s14, $0xb8;
	[tilespmem:$0x15220] =	vst v63  }
0x26: {  	s19 =	simm.s32 $0x140  }
0x27: {  	[tilespmem:s22], [sflag:$0x5] =	stream.indirect.gather [hbm4b:s4+s14], $0x40, s19, s14, $0xb8;
	[tilespmem:$0x15220] =	vst v63  }
0x28: {  	_ =	swait.ge [sflag:s23], $0x1400  }
0x29: {  	[sflag:s23] =	ssyncset.done $0x0  }
0x2a: {  	s21 =	simm.s32 $0x2710;
	[sflag:s23] =	ssyncadd.s32 $0xFFFFEC00  }
0x2b: {  	[spmem:s2] =	stream.indirect.scatter.add.f32 [tilespmem:s15], [sflag:$0x6], $0x40, s21, s14, $0xb8;
	[tilespmem:$0x15220] =	vst v63  }
0x2c: {  	_ =	swait.ge [sflag:s10], $0x1400  }
0x2d: {  	[sflag:s10] =	ssyncset.done $0x0  }
0x2e: {  	s19 =	simm.s32 $0x190;
	[sflag:s10] =	ssyncadd.s32 $0xFFFFEC00  }
0x2f: {  	[tilespmem:s15], [sflag:$0x1] =	stream.indirect.gather [hbm4b:s4+s14], $0x40, s19, s14, $0xb8;
	[tilespmem:$0x15220] =	vst v63  }
0x30: {  	_ =	swait.ge [sflag:s24], $0x1400  }
0x31: {  	[sflag:s24] =	ssyncset.done $0x0  }
0x32: {  	s21 =	simm.s32 $0x2760;
	[sflag:s24] =	ssyncadd.s32 $0xFFFFEC00  }
0x33: {  	[spmem:s2] =	stream.indirect.scatter.add.f32 [tilespmem:s16], [sflag:$0x6], $0x40, s21, s14, $0xb8;
	[tilespmem:$0x15220] =	vst v63  }
0x34: {  	_ =	swait.ge [sflag:s10], $0x1400  }
0x35: {  	[sflag:s10] =	ssyncset.done $0x0  }
0x36: {  	s19 =	simm.s32 $0x1E0;
	[sflag:s10] =	ssyncadd.s32 $0xFFFFEC00  }
0x37: {  	[tilespmem:s16], [sflag:$0x2] =	stream.indirect.gather [hbm4b:s4+s14], $0x40, s19, s14, $0xb8;
	[tilespmem:$0x15220] =	vst v63  }
0x38: {  	_ =	swait.ge [sflag:s25], $0x1400  }
0x39: {  	[sflag:s25] =	ssyncset.done $0x0  }
0x3a: {  	s21 =	simm.s32 $0x27B0;
	[sflag:s25] =	ssyncadd.s32 $0xFFFFEC00  }
0x3b: {  	[spmem:s2] =	stream.indirect.scatter.add.f32 [tilespmem:s18], [sflag:$0x6], $0x40, s21, s14, $0xb8;
	[tilespmem:$0x15220] =	vst v63  }
0x3c: {  	_ =	swait.ge [sflag:s10], $0x1400  }
0x3d: {  	[sflag:s10] =	ssyncset.done $0x0  }
0x3e: {  	s19 =	simm.s32 $0x230;
	[sflag:s10] =	ssyncadd.s32 $0xFFFFEC00  }
0x3f: {  	[tilespmem:s18], [sflag:$0x3] =	stream.indirect.gather [hbm4b:s4+s14], $0x40, s19, s14, $0xb8;
	[tilespmem:$0x15220] =	vst v63  }
0x40: {  	_ =	swait.ge [sflag:s26], $0x1400  }
0x41: {  	[sflag:s26] =	ssyncset.done $0x0  }
0x42: {  	s21 =	simm.s32 $0x2800;
	[sflag:s26] =	ssyncadd.s32 $0xFFFFEC00  }
0x43: {  	[spmem:s2] =	stream.indirect.scatter.add.f32 [tilespmem:s20], [sflag:$0x6], $0x40, s21, s14, $0xb8;
	[tilespmem:$0x15220] =	vst v63  }
0x44: {  	_ =	swait.ge [sflag:s10], $0x1400  }
0x45: {  	[sflag:s10] =	ssyncset.done $0x0  }
0x46: {  	s19 =	simm.s32 $0x280;
	[sflag:s10] =	ssyncadd.s32 $0xFFFFEC00  }
0x47: {  	[tilespmem:s20], [sflag:$0x4] =	stream.indirect.gather [hbm4b:s4+s14], $0x40, s19, s14, $0xb8;
	[tilespmem:$0x15220] =	vst v63  }
0x48: {  	_ =	swait.ge [sflag:s28], $0x1400  }
0x49: {  	[sflag:s28] =	ssyncset.done $0x0  }
0x4a: {  	s21 =	simm.s32 $0x2850;
	[sflag:s28] =	ssyncadd.s32 $0xFFFFEC00  }
0x4b: {  	[spmem:s2] =	stream.indirect.scatter.add.f32 [tilespmem:s22], [sflag:$0x6], $0x40, s21, s14, $0xb8;
	[tilespmem:$0x15220] =	vst v63  }
0x4c: {  	_ =	swait.ge [sflag:s10], $0x1400  }
0x4d: {  	[sflag:s10] =	ssyncset.done $0x0  }
0x4e: {  	s17 =	simm.s32 $0x640;
	s19 =	simm.s32 $0x2D0;
	[sflag:s10] =	ssyncadd.s32 $0xFFFFEC00  }
.LBB2_2:
0x4f: {  	[tilespmem:s22], [sflag:$0x5] =	stream.indirect.gather [hbm4b:s4+s14], $0x40, s19, s14, $0xb8;
	[tilespmem:$0x15220] =	vst v63  }
0x50: {  	s19 =	smov.u32 s17  }
0x51: {  	p0 =	sne.s32 s17, $0x8FC0;
	s17 =	sadd.s32 $0x640, s17;
	_ =	swait.ge [sflag:s23], $0x1400  }
0x52: {  	s19 =	sshra.s32 s19, $0x2;
	[sflag:s23] =	ssyncset.done $0x0  }
0x53: {  	s21 =	sadd.s32 $0x2710, s19;
	[sflag:s23] =	ssyncadd.s32 $0xFFFFEC00  }
0x54: {  	[spmem:s2] =	stream.indirect.scatter.add.f32 [tilespmem:s15], [sflag:$0x6], $0x40, s21, s14, $0xb8;
	[tilespmem:$0x15220] =	vst v63  }
0x55: {  	_ =	swait.ge [sflag:s10], $0x1400  }
0x56: {  	[sflag:s10] =	ssyncset.done $0x0  }
0x57: {  	s21 =	sadd.s32 $0x190, s19;
	[sflag:s10] =	ssyncadd.s32 $0xFFFFEC00  }
0x58: {  	[tilespmem:s15], [sflag:$0x1] =	stream.indirect.gather [hbm4b:s4+s14], $0x40, s21, s14, $0xb8;
	[tilespmem:$0x15220] =	vst v63  }
0x59: {  	_ =	swait.ge [sflag:s24], $0x1400  }
0x5a: {  	[sflag:s24] =	ssyncset.done $0x0  }
0x5b: {  	s21 =	sadd.s32 $0x2760, s19;
	[sflag:s24] =	ssyncadd.s32 $0xFFFFEC00  }
0x5c: {  	[spmem:s2] =	stream.indirect.scatter.add.f32 [tilespmem:s16], [sflag:$0x6], $0x40, s21, s14, $0xb8;
	[tilespmem:$0x15220] =	vst v63  }
0x5d: {  	_ =	swait.ge [sflag:s10], $0x1400  }
0x5e: {  	[sflag:s10] =	ssyncset.done $0x0  }
0x5f: {  	s21 =	sadd.s32 $0x1E0, s19;
	[sflag:s10] =	ssyncadd.s32 $0xFFFFEC00  }
0x60: {  	[tilespmem:s16], [sflag:$0x2] =	stream.indirect.gather [hbm4b:s4+s14], $0x40, s21, s14, $0xb8;
	[tilespmem:$0x15220] =	vst v63  }
0x61: {  	_ =	swait.ge [sflag:s25], $0x1400  }
0x62: {  	[sflag:s25] =	ssyncset.done $0x0  }
0x63: {  	s21 =	sadd.s32 $0x27B0, s19;
	[sflag:s25] =	ssyncadd.s32 $0xFFFFEC00  }
0x64: {  	[spmem:s2] =	stream.indirect.scatter.add.f32 [tilespmem:s18], [sflag:$0x6], $0x40, s21, s14, $0xb8;
	[tilespmem:$0x15220] =	vst v63  }
0x65: {  	_ =	swait.ge [sflag:s10], $0x1400  }
0x66: {  	[sflag:s10] =	ssyncset.done $0x0  }
0x67: {  	s21 =	sadd.s32 $0x230, s19;
	[sflag:s10] =	ssyncadd.s32 $0xFFFFEC00  }
0x68: {  	[tilespmem:s18], [sflag:$0x3] =	stream.indirect.gather [hbm4b:s4+s14], $0x40, s21, s14, $0xb8;
	[tilespmem:$0x15220] =	vst v63  }
0x69: {  	_ =	swait.ge [sflag:s26], $0x1400  }
0x6a: {  	[sflag:s26] =	ssyncset.done $0x0  }
0x6b: {  	s21 =	sadd.s32 $0x2800, s19;
	[sflag:s26] =	ssyncadd.s32 $0xFFFFEC00  }
0x6c: {  	[spmem:s2] =	stream.indirect.scatter.add.f32 [tilespmem:s20], [sflag:$0x6], $0x40, s21, s14, $0xb8;
	[tilespmem:$0x15220] =	vst v63  }
0x6d: {  	_ =	swait.ge [sflag:s10], $0x1400  }
0x6e: {  	[sflag:s10] =	ssyncset.done $0x0  }
0x6f: {  	s21 =	sadd.s32 $0x280, s19;
	[sflag:s10] =	ssyncadd.s32 $0xFFFFEC00  }
0x70: {  	[tilespmem:s20], [sflag:$0x4] =	stream.indirect.gather [hbm4b:s4+s14], $0x40, s21, s14, $0xb8;
	[tilespmem:$0x15220] =	vst v63  }
0x71: {  	_ =	swait.ge [sflag:s28], $0x1400  }
0x72: {  	[sflag:s28] =	ssyncset.done $0x0  }
.Ltmp0:
0x73: {  	s21 =	sadd.s32 $0x2850, s19;
	[sflag:s28] =	ssyncadd.s32 $0xFFFFEC00;
	(pc) =	sbr.rel @p0 .LBB2_2-.Ltmp0, $4  }
0x74: {  	[spmem:s2] =	stream.indirect.scatter.add.f32 [tilespmem:s22], [sflag:$0x6], $0x40, s21, s14, $0xb8;
	[tilespmem:$0x15220] =	vst v63  }
0x75: {  	_ =	swait.ge [sflag:s10], $0x1400  }
0x76: {  	[sflag:s10] =	ssyncset.done $0x0  }
0x77: {  	s19 =	sadd.s32 $0x2D0, s19;
	[sflag:s10] =	ssyncadd.s32 $0xFFFFEC00  }
0x78: {  	[tilespmem:s22], [sflag:$0x5] =	stream.indirect.gather [hbm4b:s4+s14], $0x40, s19, s14, $0xb8;
	[tilespmem:$0x15220] =	vst v63  }
0x79: {  	_ =	swait.ge [sflag:s23], $0x1400  }
0x7a: {  	[sflag:s23] =	ssyncset.done $0x0  }
0x7b: {  	[sflag:s23] =	ssyncadd.s32 $0xFFFFEC00  }
0x7c: {  	[spmem:s2] =	stream.indirect.scatter.add.f32 [tilespmem:s15], [sflag:$0x6], $0x40, s29, s14, $0xb8;
	[tilespmem:$0x15220] =	vst v63  }
0x7d: {  	_ =	swait.ge [sflag:s10], $0x1400  }
0x7e: {  	[sflag:s10] =	ssyncset.done $0x0  }
0x7f: {  	[sflag:s10] =	ssyncadd.s32 $0xFFFFEC00  }
0x80: {  	_ =	swait.ge [sflag:s24], $0x1400  }
0x81: {  	[sflag:s24] =	ssyncset.done $0x0  }
0x82: {  	[sflag:s24] =	ssyncadd.s32 $0xFFFFEC00  }
0x83: {  	[spmem:s2] =	stream.indirect.scatter.add.f32 [tilespmem:s16], [sflag:$0x6], $0x40, s30, s14, $0xb8;
	[tilespmem:$0x15220] =	vst v63  }
0x84: {  	_ =	swait.ge [sflag:s10], $0x1400  }
0x85: {  	[sflag:s10] =	ssyncset.done $0x0  }
0x86: {  	[sflag:s10] =	ssyncadd.s32 $0xFFFFEC00  }
0x87: {  	_ =	swait.ge [sflag:s25], $0x1400  }
0x88: {  	[sflag:s25] =	ssyncset.done $0x0  }
0x89: {  	[sflag:s25] =	ssyncadd.s32 $0xFFFFEC00  }
0x8a: {  	[spmem:s2] =	stream.indirect.scatter.add.f32 [tilespmem:s18], [sflag:$0x6], $0x40, s31, s14, $0xb8;
	[tilespmem:$0x15220] =	vst v63  }
0x8b: {  	_ =	swait.ge [sflag:s10], $0x1400  }
0x8c: {  	[sflag:s10] =	ssyncset.done $0x0  }
0x8d: {  	[sflag:s10] =	ssyncadd.s32 $0xFFFFEC00  }
0x8e: {  	_ =	swait.ge [sflag:s26], $0x1400  }
0x8f: {  	[sflag:s26] =	ssyncset.done $0x0  }
0x90: {  	[sflag:s26] =	ssyncadd.s32 $0xFFFFEC00  }
0x91: {  	[spmem:s2] =	stream.indirect.scatter.add.f32 [tilespmem:s20], [sflag:$0x6], $0x40, s1, s14, $0xb8;
	[tilespmem:$0x15220] =	vst v63  }
0x92: {  	_ =	swait.ge [sflag:s10], $0x1400  }
0x93: {  	[sflag:s10] =	ssyncset.done $0x0  }
0x94: {  	[sflag:s10] =	ssyncadd.s32 $0xFFFFEC00  }
0x95: {  	_ =	swait.ge [sflag:s28], $0x1400  }
0x96: {  	[sflag:s28] =	ssyncset.done $0x0  }
0x97: {  	[sflag:s28] =	ssyncadd.s32 $0xFFFFEC00  }
0x98: {  	[spmem:s2] =	stream.indirect.scatter.add.f32 [tilespmem:s22], [sflag:$0x6], $0x40, s0, s14, $0xb8;
	[tilespmem:$0x15220] =	vst v63  }
0x99: {  	_ =	swait.ge [sflag:s10], $0x1400  }
0x9a: {  	s11 =	sadd.s32 $0x1, s11;
	[sflag:s10] =	ssyncset.done $0x0  }
0x9b: {  	p0 =	sne.s32 s11, s9;
	[sflag:s10] =	ssyncadd.s32 $0xFFFFEC00  }
.Ltmp1:
0x9c: {  	[bflag:$0x0] =	sbarrier.arrive $0xFFFF;
	(pc) =	sbr.rel @p0 .LBB2_1-.Ltmp1, $4  }
0x9d: {  	[hbm:s8], [sflag:s12] =	dma.local [spmem:s13], $0x1400  }
0x9e: {  	_ =	swait.ge [sflag:s10], $0x1400  }
0x9f: {  	[sflag:s10] =	ssyncset.done $0x0  }
0xa0: {  	[sflag:s10] =	ssyncadd.s32 $0xFFFFEC00  }
0xa1: {  	_ =	sfence.sel $0x180000  }
0xa2: {  	[bflag:$0x0] =	sbarrier.arrive $0xFFFF  }
0xa3: {  	_ =	strace $0x9000004A  }
0xa4: {  	s0 =	stileid.u32;
	[bflag:$0x2] =	sbarrier.arrive $0xFFFF  }
0xa5: {  	p0 =	sne.s32 s0, $0x0;
	s0 =	rddreg [dreg:$0x2]  }
0xa6: {  	s0 =	sadd.s32 @!p0 $0x100000, s0  }
0xa7: {  	[sflag:s0] =	ssyncadd.tile.s32 @!p0 $0x1;
	_ =	shalt  }
.Lfunc_end2:
_tile_overlayer_lowered:
.L_overlay_start_2:
0xa8: {  	(tag) =	ssettag $0x2  }
0xa9: {  	s0 =	rddreg [dreg:$0x0];
	s2 =	stileid.u32  }
0xaa: {  	s1 =	rddreg [dreg:$0x1];
	p0 =	sne.s32 s2, $0x0  }
0xab: {  	s3 =	rddreg [dreg:$0x2];
	[bflag:$0x3] =	sbarrier.arrive $0xFFFF;
	s2 =	simm.s32 @!p0 $0x1C06  }
0xac: {  	[timem:s3], [sflag:s2] =	dma.local @!p0 [hbm:s0], s1  }
0xad: {  	s0 =	simm.s32 @!p0 $0x6  }
0xae: {  	_ =	swait.ge @!p0 [sflag:s0], s1  }
0xaf: {  	s1 =	ssub.s32 @!p0 $0x0, s1;
	[sflag:s0] =	ssyncset.done @!p0 $0x0  }
0xb0: {  	[sflag:s0] =	ssyncadd.s32 @!p0 s1  }
0xb1: {  	[bflag:$0x3] =	sbarrier.arrive $0xFFFF  }
0xb2: {  	_ =	shalt  }

// kernel: kernel.14.cloned.1.call-start
scs
__scs_entry_jumppad:
0x0: {  	(pc) =	sbr.rel $0x88, $3  }
0x1: {  	(tag) =	ssettag $0x0;
	lr =	simm.s32 $0x1  }
0x2: {  	[smem:$0x3F98] =	sst lr;
	_ =	strace $0xD0000000  }
0x3: {  	_ = 	snop  }
0x4: {  	_ = 	snop  }
0x5: {  	_ = 	snop  }
0x6: {  	_ = 	snop  }
0x7: {  	_ = 	snop  }
__scs_overlays_trampoline_lowered:
0x8: {  	[smem:$0x3FA7] =	sst s0  }
0x9: {  	[smem:$0x3FA8] =	sst s1  }
0xa: {  	[smem:$0x3FA9] =	sst s2  }
0xb: {  	[smem:$0x3FAA] =	sst s3  }
0xc: {  	[smem:$0x3FAB] =	sst s4  }
0xd: {  	[smem:$0x3FAC] =	sst s5  }
0xe: {  	[smem:$0x3FAD] =	sst s6  }
0xf: {  	[smem:$0x3FAE] =	sst s7  }
0x10: {  	[smem:$0x3FAF] =	sst s8  }
0x11: {  	[smem:$0x3FB0] =	sst s9;
	s0 =	simm.s32 @!p0 $0x0  }
0x12: {  	s1 =	sld [smem:$0x3F96];
	s0 =	simm.s32 @p0 $0x1  }
0x13: {  	[smem:$0x3FB1] =	sst s0;
	s0 =	simm.s32 @!p1 $0x0  }
0x14: {  	s2 =	sld [smem:$0x3F95];
	s0 =	simm.s32 @p1 $0x1  }
0x15: {  	[smem:$0x3FB2] =	sst s0;
	s0 =	simm.s32 @!p2 $0x0  }
0x16: {  	s3 =	sld [smem:$0x3FDB];
	s0 =	simm.s32 @p2 $0x1  }
0x17: {  	s4 =	simm.s32 $0x1BF5;
	[smem:$0x3FB4] =	sst s0  }
0x18: {  	s0 =	sld [smem:$0x3F97];
	_ =	swait.ge [sflag:s4], $0x0  }
0x19: {  	s7 =	sld [smem:$0x3F98]  }
0x1a: {  	s8 =	sadd.s32 $0xFFFFE003, lr  }
0x1b: {  	s9 =	sadd.s32 $0xFFFFFEF7, lr;
	s5 =	simm.s32 $0xFFFFFFFF;
	p2 =	slt.u32 s8, $0xFFFFF086  }
0x1c: {  	p1 =	slt.u32 s9, $0xF7A;
	s5 =	simm.s32 @!p2 $0x0  }
0x1d: {  	s5 =	simm.s32 @p1 $0x1;
	p0 =	seq.s32 s7, s2  }
0x1e: {  	s7 =	smul.u32 @!p0 $0xF7A, s2;
	p2 =	seq.s32 @!p0 s5, $0x0  }
0x1f: {  	s9 =	smul.u32 $0xF7A, s1;
	s8 =	simm.s32 @!p0 $0x1BF5;
	p2 =	por !p2, p0  }
0x20: {  	[sflag:s8] =	ssyncset.s32 @!p0 $0xFFFFF086;
	s6 =	sadd.s32 @!p0 s3, s7;
	s7 =	simm.s32 @!p0 $0x108  }
0x21: {  	s3 =	sadd.s32 s3, s9;
	s6 =	sadd.s32 @!p0 $0x88, s6;
	s7 =	simm.s32 @p2 $0x1082  }
0x22: {  	[simem:s7], [sflag:s8] =	dma.local @!p0 [hbm:s6], $0xF7A  }
0x23: {  	s9 =	sor.u32 $0xD0000000, s2;
	s6 =	simm.s32 $0x108;
	_ =	swait.ge @!p0 [sflag:s8], $0x0  }
0x24: {  	s3 =	sadd.s32 $0x88, s3;
	s6 =	simm.s32 @!p1 $0x1082;
	[sflag:s4] =	ssyncset.s32 $0xFFFFF086  }
0x25: {  	[simem:s6], [sflag:s4] =	dma.local [hbm:s3], $0xF7A  }
0x26: {  	[smem:$0x3F98] =	sst s1;
	(tag) =	ssettag s2;
	_ =	strace s9  }
0x27: {  	s1 =	sld [smem:$0x3FA8]  }
0x28: {  	s2 =	sld [smem:$0x3FA9]  }
0x29: {  	s4 =	sld [smem:$0x3FAB]  }
0x2a: {  	p0 =	seq.s32 s5, $0x0;
	s5 =	sld [smem:$0x3FAC]  }
0x2b: {  	s6 =	sld [smem:$0x3FAD]  }
0x2c: {  	s7 =	sld [smem:$0x3FAE]  }
0x2d: {  	s3 =	simm.s32 $0x108;
	s8 =	sld [smem:$0x3FAF]  }
0x2e: {  	s3 =	simm.s32 @!p0 $0x1082;
	s9 =	sld [smem:$0x3FB0]  }
0x2f: {  	lr =	sadd.s32 s0, s3;
	s0 =	sld [smem:$0x3FA7]  }
0x30: {  	s3 =	sld [smem:$0x3FAA]  }
0x31: {  	[smem:$0x3FB3] =	sst s10  }
0x32: {  	s10 =	sld [smem:$0x3FB1];
	_ =	sdelay $0x3  }
0x33: {  	p0 =	seq.s32 s10, $0x1;
	s10 =	sld [smem:$0x3FB3];
	_ =	sdelay $0x3  }
0x34: {  	[smem:$0x3FB3] =	sst s10  }
0x35: {  	s10 =	sld [smem:$0x3FB2];
	_ =	sdelay $0x3  }
0x36: {  	p1 =	seq.s32 s10, $0x1;
	s10 =	sld [smem:$0x3FB3];
	_ =	sdelay $0x3  }
0x37: {  	[smem:$0x3FB3] =	sst s10  }
0x38: {  	s10 =	sld [smem:$0x3FB4]  }
0x39: {  	_ = 	snop;
	(pc) =	sbr.ind lr, $3  }
0x3a: {  	_ = 	snop  }
0x3b: {  	_ = 	snop  }
0x3c: {  	p2 =	seq.s32 s10, $0x1;
	s10 =	sld [smem:$0x3FB3]  }
0x3d: {  	_ =	shalt  }
0x3e: {  	_ =	shalt  }
0x3f: {  	_ =	shalt  }
0x40: {  	_ =	shalt  }
0x41: {  	_ =	shalt  }
0x42: {  	_ =	shalt  }
0x43: {  	_ =	shalt  }
0x44: {  	_ =	shalt  }
0x45: {  	_ =	shalt  }
0x46: {  	_ =	shalt  }
0x47: {  	_ =	shalt  }
0x48: {  	_ =	shalt  }
0x49: {  	_ =	shalt  }
0x4a: {  	_ =	shalt  }
0x4b: {  	_ =	shalt  }
0x4c: {  	_ =	shalt  }
0x4d: {  	_ =	shalt  }
0x4e: {  	_ =	shalt  }
0x4f: {  	_ =	shalt  }
0x50: {  	_ =	shalt  }
0x51: {  	_ =	shalt  }
0x52: {  	_ =	shalt  }
0x53: {  	_ =	shalt  }
0x54: {  	_ =	shalt  }
0x55: {  	_ =	shalt  }
0x56: {  	_ =	shalt  }
0x57: {  	_ =	shalt  }
0x58: {  	_ =	shalt  }
0x59: {  	_ =	shalt  }
0x5a: {  	_ =	shalt  }
0x5b: {  	_ =	shalt  }
0x5c: {  	_ =	shalt  }
0x5d: {  	_ =	shalt  }
0x5e: {  	_ =	shalt  }
0x5f: {  	_ =	shalt  }
0x60: {  	_ =	shalt  }
0x61: {  	_ =	shalt  }
0x62: {  	_ =	shalt  }
0x63: {  	_ =	shalt  }
0x64: {  	_ =	shalt  }
0x65: {  	_ =	shalt  }
0x66: {  	_ =	shalt  }
0x67: {  	_ =	shalt  }
0x68: {  	_ =	shalt  }
0x69: {  	_ =	shalt  }
0x6a: {  	_ =	shalt  }
0x6b: {  	_ =	shalt  }
0x6c: {  	_ =	shalt  }
0x6d: {  	_ =	shalt  }
0x6e: {  	_ =	shalt  }
0x6f: {  	_ =	shalt  }
0x70: {  	_ =	shalt  }
0x71: {  	_ =	shalt  }
0x72: {  	_ =	shalt  }
0x73: {  	_ =	shalt  }
0x74: {  	_ =	shalt  }
0x75: {  	_ =	shalt  }
0x76: {  	_ =	shalt  }
0x77: {  	_ =	shalt  }
0x78: {  	_ =	shalt  }
0x79: {  	_ =	shalt  }
0x7a: {  	_ =	shalt  }
0x7b: {  	_ =	shalt  }
0x7c: {  	_ =	shalt  }
0x7d: {  	_ =	shalt  }
0x7e: {  	_ =	shalt  }
0x7f: {  	_ =	shalt  }
0x80: {  	_ =	shalt  }
0x81: {  	_ =	shalt  }
0x82: {  	_ =	shalt  }
0x83: {  	_ =	shalt  }
0x84: {  	_ =	shalt  }
0x85: {  	_ =	shalt  }
0x86: {  	_ =	shalt  }
0x87: {  	_ =	shalt  }
.Lfunc_end0:
.L_simem_size_0:
called_computation.2_lowered:
.L_overlay_start_0:
0x88: {  	s2 =	sld [smem:$0x3FD9]  }
0x89: {  	s3 =	sld [smem:$0x3FFE];
	_ =	sdelay $0x1  }
0x8a: {  	s1 =	srdreg.scid  }
0x8b: {  	s0 =	sand.u32 $0x1, s1  }
0x8c: {  	s16 =	sshll.u32 s0, $0xA;
	s2 =	sadd.s32 s3, s2  }
0x8d: {  	s2 =	sadd.s32 s2, s16  }
0x8e: {  	[smem:$0x3FBF] =	sst s2  }
0x8f: {  	_ = 	snop  }
0x90: {  	(tm) =	ssettm $0x1  }
0x91: {  	s17 =	sld [smem:$0x3FFB];
	_ =	sdelay $0x3  }
0x92: {  	_ =	strace s17  }
0x93: {  	s2 =	sld [smem:$0x3FFC];
	_ =	sdelay $0x3  }
0x94: {  	_ =	strace s2  }
0x95: {  	s2 =	sld [smem:$0x3FFD];
	_ =	sdelay $0x3  }
0x96: {  	_ =	strace s2  }
0x97: {  	_ =	strace $0x8FFFFFFF  }
0x98: {  	s18 =	sld [smem:$0x3FDB];
	_ =	sdelay $0x1  }
0x99: {  	s19 =	simm.s32 $_scs_section_size  }
0x9a: {  	s4 =	simm.s32 $_size__tile_overlayer_lowered;
	s5 =	simm.s32 $_tile_overlayer_lowered  }
0x9b: {  	s22 =	simm.s32 $0x1BFF;
	s21 =	sshll.u32 s5, $0x1;
	s2 =	sadd.s32 s19, s18  }
0x9c: {  	s6 =	simm.s32 $0x0;
	s20 =	sshll.u32 s4, $0x1;
	s4 =	sadd.s32 s21, s2  }
0x9d: {  	[timem:s6], [sflag:s22] =	dma.local [hbm:s4], s20  }
0x9e: {  	_ =	swait.ge [sflag:s22], s20  }
0x9f: {  	s3 =	ssub.s32 $0x0, s20;
	[sflag:s22] =	ssyncset.done $0x0  }
0xa0: {  	[sflag:s22] =	ssyncadd.s32 s3;
	_ =	sdelay $0x1  }
0xa1: {  	s23 =	simm.s32 $0x1B8B  }
0xa2: {  	_ =	swait.ge [sflag:s23], $0x1  }
0xa3: {  	[sflag:s23] =	ssyncset.done $0x0  }
0xa4: {  	s25 =	simm.s32 $0x1B8E;
	s24 =	sld [smem:$0x3FFE];
	[sflag:s23] =	ssyncadd.s32 $0xFFFFFFFF  }
0xa5: {  	s26 =	simm.s32 $execute0_lowered;
	[smem:$0x3FD2] =	sst s25  }
0xa6: {  	s4 =	sshll.u32 s26, $0x1;
	_ =	strace $0x8000004C;
	[dreg:$0x1] =	wrdreg $0xFFFFFFFF  }
0xa7: {  	s28 =	simm.s32 $_size_execute0_lowered;
	s2 =	sadd.s32 s2, s4;
	[dreg:$0x0] =	wrdreg $0x0  }
0xa8: {  	s4 =	sshll.u32 s28, $0x1;
	[dreg:$0x2] =	wrdreg s2  }
0xa9: {  	[dreg:$0x3] =	wrdreg s4  }
0xaa: {  	[dreg:$0x4] =	wrdreg $0xC0  }
0xab: {  	_ =	task [dreg:s6], $0x5FFFF  }
0xac: {  	[dreg:$0x1] =	wrdreg $0xFFFFFFFF  }
0xad: {  	[dreg:$0x0] =	wrdreg $0x60  }
0xae: {  	[dreg:$0x2] =	wrdreg s24  }
0xaf: {  	[dreg:$0x3] =	wrdreg $0xB2200  }
0xb0: {  	[dreg:$0x4] =	wrdreg $0x9  }
0xb1: {  	_ =	task.clear_ibuf [dreg:s6], $0x5FFFF;
	_ =	strace $0x9000004C  }
0xb2: {  	s29 =	simm.s32 $0x9;
	_ =	strace $0x8000004E  }
0xb3: {  	_ =	swait.ge [sflag:s29], $0x1  }
0xb4: {  	[sflag:s29] =	ssyncadd.s32 $0xFFFFFFFF  }
0xb5: {  	_ =	strace $0x9000004E  }
0xb6: {  	_ =	sfence  }
0xb7: {  	s30 =	sld [smem:$0x0];
	_ =	sdelay $0x2  }
0xb8: {  	s31 =	sshll.u32 s1, $0xD;
	s1 =	sshrl.u32 s1, $0x2  }
0xb9: {  	s3 =	sand.u32 $0x4000, s31;
	s1 =	sadd.s32 s1, s30  }
0xba: {  	s0 =	sor.u32 s3, s0;
	s1 =	sshll.u32 s1, $0x11  }
0xbb: {  	s0 =	sor.u32 s1, s0  }
0xbc: {  	s0 =	sadd.s32 $0x8F2B, s0  }
0xbd: {  	[sflag:s0] =	ssyncadd.remote.s32 $0x1  }
0xbe: {  	_ =	sfence.sel $0xFFFF  }
0xbf: {  	[dreg:$0x0] =	wrdreg $0xFFFFFFFF;
	(pc) =	sbr.abs _section_cstart, $3  }
0xc0: {  	[dreg:$0x1] =	wrdreg $0xFFFFFFFF  }
0xc1: {  	_ =	task.clear_ibuf [dreg:s6], $0x2FFFF;
	_ =	strace $0x9FFFFFFF  }
0xc2: {  	(tm) =	ssettm $0x7FFFFFFF  }
0xc3: {  	_ =	shalt  }
tec
execute0_lowered:
.L_overlay_start_1:
0x0: {  	(tag) =	ssettag $0x1  }
0x1: {  	s0 =	srdreg.scid;
	s5 =	rddreg [dreg:$0x0]  }
0x2: {  	s11 =	stileid.u32;
	s2 =	rddreg [dreg:$0x1];
	s3 =	simm.s32 $0x0  }
0x3: {  	s14 =	simm.s32 $0x50;
	s15 =	simm.s32 $0x4E20;
	s16 =	simm.s32 $0x6220  }
0x4: {  	s18 =	simm.s32 $0x7620;
	s20 =	simm.s32 $0x8A20;
	s22 =	simm.s32 $0x9E20  }
0x5: {  	s23 =	simm.s32 $0x1;
	s24 =	simm.s32 $0x2;
	s28 =	simm.s32 $0x5  }
0x6: {  	s29 =	simm.s32 $0x4C90;
	s30 =	simm.s32 $0x4CE0;
	s31 =	simm.s32 $0x4D30  }
0x7: {  	s0 =	sand.u32 $0x1, s0;
	s1 =	sshll.u32 s11, $0x1;
	s7 =	smul.u32 $0xA000, s11  }
0x8: {  	[smem:$0x7FF] =	sst s3;
	s4 =	sadd.s32 $0x25200, s5;
	s26 =	sshll.u32 s11, $0x6  }
0x9: {  	s11 =	simm.s32 $0x0;
	s1 =	sor.u32 s0, s1;
	s6 =	smul.u32 $0xA0000, s0  }
0xa: {  	_ =	strace $0x8000004D;
	s0 =	ssub.s32 $0x2, s0;
	s12 =	sor.u32 $0x1C06, s26  }
0xb: {  	s26 =	simm.s32 $0x4;
	s1 =	smul.u32 $0x4E2, s1;
	s8 =	sshrl.u32 s7, $0x3  }
0xc: {  	s9 =	sshrl.u32 s0, $0x1;
	s25 =	sadd.s32 s7, s2;
	s6 =	sadd.s32 s7, s6  }
0xd: {  	s8 =	sadd.s32 s8, s5;
	s0 =	ssub.s32 s0, s9;
	s13 =	sshrl.u32 s25, $0x3  }
0xe: {  	s25 =	simm.s32 $0x3;
	s1 =	sadd.s32 s1, s5;
	s6 =	sshrl.u32 s6, $0x3  }
0xf: {  	s7 =	sadd.s32 $0x39200, s8;
	s9 =	smax.u32 s0, $0x1;
	s0 =	simm.s32 $0x4DD0  }
0x10: {  	s10 =	sadd.s32 s6, s5;
	s5 =	sadd.s32 $0x1B400, s1;
	s6 =	sadd.s32 $0x2400, s1  }
0x11: {  	s1 =	simm.s32 $0x4D80;
	s8 =	sadd.s32 $0x4D200, s10;
	s10 =	simm.s32 $0x6  }
.LBB2_1:
0x12: {  	[tilespmem:s3], [sflag:$0x6] =	stream.linear.gather [hbm4b:s5+s3], $0x2710, $0x38;
	[tilespmem:$0x15220] =	vst v63  }
0x13: {  	_ =	swait.ge [sflag:s10], $0x2710  }
0x14: {  	[sflag:s10] =	ssyncset.done $0x0  }
0x15: {  	s17 =	simm.s32 $0x2710;
	[sflag:s10] =	ssyncadd.s32 $0xFFFFD8F0  }
0x16: {  	[tilespmem:s17], [sflag:$0x6] =	stream.linear.gather [hbm4b:s6+s3], $0x2710, $0x38;
	[tilespmem:$0x15220] =	vst v63  }
0x17: {  	_ =	swait.ge [sflag:s10], $0x2710  }
0x18: {  	[sflag:s10] =	ssyncset.done $0x0  }
0x19: {  	[sflag:s10] =	ssyncadd.s32 $0xFFFFD8F0  }
0x1a: {  	[spmem:s13], [sflag:s12] =	dma.local [hbm:s7], $0x1400  }
0x1b: {  	_ =	swait.ge [sflag:s10], $0x1400  }
0x1c: {  	[sflag:s10] =	ssyncset.done $0x0  }
0x1d: {  	[sflag:s10] =	ssyncadd.s32 $0xFFFFEC00  }
0x1e: {  	[bflag:$0x0] =	sbarrier.arrive $0xFFFF  }
0x1f: {  	[tilespmem:s15], [sflag:$0x1] =	stream.indirect.gather [hbm4b:s4+s14], $0x40, s3, s14, $0xb8;
	[tilespmem:$0x15220] =	vst v63  }
0x20: {  	_ = 	snop  }
0x21: {  	[tilespmem:s16], [sflag:$0x2] =	stream.indirect.gather [hbm4b:s4+s14], $0x40, s14, s14, $0xb8;
	[tilespmem:$0x15220] =	vst v63  }
0x22: {  	s19 =	simm.s32 $0xA0  }
0x23: {  	[tilespmem:s18], [sflag:$0x3] =	stream.indirect.gather [hbm4b:s4+s14], $0x40, s19, s14, $0xb8;
	[tilespmem:$0x15220] =	vst v63  }
0x24: {  	s21 =	simm.s32 $0xF0  }
0x25: {  	[tilespmem:s20], [sflag:$0x4] =	stream.indirect.gather [hbm4b:s4+s14], $0x40, s21, s14, $0xb8;
	[tilespmem:$0x15220] =	vst v63  }
0x26: {  	s19 =	simm.s32 $0x140  }
0x27: {  	[tilespmem:s22], [sflag:$0x5] =	stream.indirect.gather [hbm4b:s4+s14], $0x40, s19, s14, $0xb8;
	[tilespmem:$0x15220] =	vst v63  }
0x28: {  	_ =	swait.ge [sflag:s23], $0x1400  }
0x29: {  	[sflag:s23] =	ssyncset.done $0x0  }
0x2a: {  	s21 =	simm.s32 $0x2710;
	[sflag:s23] =	ssyncadd.s32 $0xFFFFEC00  }
0x2b: {  	[spmem:s2] =	stream.indirect.scatter.add.f32 [tilespmem:s15], [sflag:$0x6], $0x40, s21, s14, $0xb8;
	[tilespmem:$0x15220] =	vst v63  }
0x2c: {  	_ =	swait.ge [sflag:s10], $0x1400  }
0x2d: {  	[sflag:s10] =	ssyncset.done $0x0  }
0x2e: {  	s19 =	simm.s32 $0x190;
	[sflag:s10] =	ssyncadd.s32 $0xFFFFEC00  }
0x2f: {  	[tilespmem:s15], [sflag:$0x1] =	stream.indirect.gather [hbm4b:s4+s14], $0x40, s19, s14, $0xb8;
	[tilespmem:$0x15220] =	vst v63  }
0x30: {  	_ =	swait.ge [sflag:s24], $0x1400  }
0x31: {  	[sflag:s24] =	ssyncset.done $0x0  }
0x32: {  	s21 =	simm.s32 $0x2760;
	[sflag:s24] =	ssyncadd.s32 $0xFFFFEC00  }
0x33: {  	[spmem:s2] =	stream.indirect.scatter.add.f32 [tilespmem:s16], [sflag:$0x6], $0x40, s21, s14, $0xb8;
	[tilespmem:$0x15220] =	vst v63  }
0x34: {  	_ =	swait.ge [sflag:s10], $0x1400  }
0x35: {  	[sflag:s10] =	ssyncset.done $0x0  }
0x36: {  	s19 =	simm.s32 $0x1E0;
	[sflag:s10] =	ssyncadd.s32 $0xFFFFEC00  }
0x37: {  	[tilespmem:s16], [sflag:$0x2] =	stream.indirect.gather [hbm4b:s4+s14], $0x40, s19, s14, $0xb8;
	[tilespmem:$0x15220] =	vst v63  }
0x38: {  	_ =	swait.ge [sflag:s25], $0x1400  }
0x39: {  	[sflag:s25] =	ssyncset.done $0x0  }
0x3a: {  	s21 =	simm.s32 $0x27B0;
	[sflag:s25] =	ssyncadd.s32 $0xFFFFEC00  }
0x3b: {  	[spmem:s2] =	stream.indirect.scatter.add.f32 [tilespmem:s18], [sflag:$0x6], $0x40, s21, s14, $0xb8;
	[tilespmem:$0x15220] =	vst v63  }
0x3c: {  	_ =	swait.ge [sflag:s10], $0x1400  }
0x3d: {  	[sflag:s10] =	ssyncset.done $0x0  }
0x3e: {  	s19 =	simm.s32 $0x230;
	[sflag:s10] =	ssyncadd.s32 $0xFFFFEC00  }
0x3f: {  	[tilespmem:s18], [sflag:$0x3] =	stream.indirect.gather [hbm4b:s4+s14], $0x40, s19, s14, $0xb8;
	[tilespmem:$0x15220] =	vst v63  }
0x40: {  	_ =	swait.ge [sflag:s26], $0x1400  }
0x41: {  	[sflag:s26] =	ssyncset.done $0x0  }
0x42: {  	s21 =	simm.s32 $0x2800;
	[sflag:s26] =	ssyncadd.s32 $0xFFFFEC00  }
0x43: {  	[spmem:s2] =	stream.indirect.scatter.add.f32 [tilespmem:s20], [sflag:$0x6], $0x40, s21, s14, $0xb8;
	[tilespmem:$0x15220] =	vst v63  }
0x44: {  	_ =	swait.ge [sflag:s10], $0x1400  }
0x45: {  	[sflag:s10] =	ssyncset.done $0x0  }
0x46: {  	s19 =	simm.s32 $0x280;
	[sflag:s10] =	ssyncadd.s32 $0xFFFFEC00  }
0x47: {  	[tilespmem:s20], [sflag:$0x4] =	stream.indirect.gather [hbm4b:s4+s14], $0x40, s19, s14, $0xb8;
	[tilespmem:$0x15220] =	vst v63  }
0x48: {  	_ =	swait.ge [sflag:s28], $0x1400  }
0x49: {  	[sflag:s28] =	ssyncset.done $0x0  }
0x4a: {  	s21 =	simm.s32 $0x2850;
	[sflag:s28] =	ssyncadd.s32 $0xFFFFEC00  }
0x4b: {  	[spmem:s2] =	stream.indirect.scatter.add.f32 [tilespmem:s22], [sflag:$0x6], $0x40, s21, s14, $0xb8;
	[tilespmem:$0x15220] =	vst v63  }
0x4c: {  	_ =	swait.ge [sflag:s10], $0x1400  }
0x4d: {  	[sflag:s10] =	ssyncset.done $0x0  }
0x4e: {  	s17 =	simm.s32 $0x640;
	s19 =	simm.s32 $0x2D0;
	[sflag:s10] =	ssyncadd.s32 $0xFFFFEC00  }
.LBB2_2:
0x4f: {  	[tilespmem:s22], [sflag:$0x5] =	stream.indirect.gather [hbm4b:s4+s14], $0x40, s19, s14, $0xb8;
	[tilespmem:$0x15220] =	vst v63  }
0x50: {  	s19 =	smov.u32 s17  }
0x51: {  	p0 =	sne.s32 s17, $0x8FC0;
	s17 =	sadd.s32 $0x640, s17;
	_ =	swait.ge [sflag:s23], $0x1400  }
0x52: {  	s19 =	sshra.s32 s19, $0x2;
	[sflag:s23] =	ssyncset.done $0x0  }
0x53: {  	s21 =	sadd.s32 $0x2710, s19;
	[sflag:s23] =	ssyncadd.s32 $0xFFFFEC00  }
0x54: {  	[spmem:s2] =	stream.indirect.scatter.add.f32 [tilespmem:s15], [sflag:$0x6], $0x40, s21, s14, $0xb8;
	[tilespmem:$0x15220] =	vst v63  }
0x55: {  	_ =	swait.ge [sflag:s10], $0x1400  }
0x56: {  	[sflag:s10] =	ssyncset.done $0x0  }
0x57: {  	s21 =	sadd.s32 $0x190, s19;
	[sflag:s10] =	ssyncadd.s32 $0xFFFFEC00  }
0x58: {  	[tilespmem:s15], [sflag:$0x1] =	stream.indirect.gather [hbm4b:s4+s14], $0x40, s21, s14, $0xb8;
	[tilespmem:$0x15220] =	vst v63  }
0x59: {  	_ =	swait.ge [sflag:s24], $0x1400  }
0x5a: {  	[sflag:s24] =	ssyncset.done $0x0  }
0x5b: {  	s21 =	sadd.s32 $0x2760, s19;
	[sflag:s24] =	ssyncadd.s32 $0xFFFFEC00  }
0x5c: {  	[spmem:s2] =	stream.indirect.scatter.add.f32 [tilespmem:s16], [sflag:$0x6], $0x40, s21, s14, $0xb8;
	[tilespmem:$0x15220] =	vst v63  }
0x5d: {  	_ =	swait.ge [sflag:s10], $0x1400  }
0x5e: {  	[sflag:s10] =	ssyncset.done $0x0  }
0x5f: {  	s21 =	sadd.s32 $0x1E0, s19;
	[sflag:s10] =	ssyncadd.s32 $0xFFFFEC00  }
0x60: {  	[tilespmem:s16], [sflag:$0x2] =	stream.indirect.gather [hbm4b:s4+s14], $0x40, s21, s14, $0xb8;
	[tilespmem:$0x15220] =	vst v63  }
0x61: {  	_ =	swait.ge [sflag:s25], $0x1400  }
0x62: {  	[sflag:s25] =	ssyncset.done $0x0  }
0x63: {  	s21 =	sadd.s32 $0x27B0, s19;
	[sflag:s25] =	ssyncadd.s32 $0xFFFFEC00  }
0x64: {  	[spmem:s2] =	stream.indirect.scatter.add.f32 [tilespmem:s18], [sflag:$0x6], $0x40, s21, s14, $0xb8;
	[tilespmem:$0x15220] =	vst v63  }
0x65: {  	_ =	swait.ge [sflag:s10], $0x1400  }
0x66: {  	[sflag:s10] =	ssyncset.done $0x0  }
0x67: {  	s21 =	sadd.s32 $0x230, s19;
	[sflag:s10] =	ssyncadd.s32 $0xFFFFEC00  }
0x68: {  	[tilespmem:s18], [sflag:$0x3] =	stream.indirect.gather [hbm4b:s4+s14], $0x40, s21, s14, $0xb8;
	[tilespmem:$0x15220] =	vst v63  }
0x69: {  	_ =	swait.ge [sflag:s26], $0x1400  }
0x6a: {  	[sflag:s26] =	ssyncset.done $0x0  }
0x6b: {  	s21 =	sadd.s32 $0x2800, s19;
	[sflag:s26] =	ssyncadd.s32 $0xFFFFEC00  }
0x6c: {  	[spmem:s2] =	stream.indirect.scatter.add.f32 [tilespmem:s20], [sflag:$0x6], $0x40, s21, s14, $0xb8;
	[tilespmem:$0x15220] =	vst v63  }
0x6d: {  	_ =	swait.ge [sflag:s10], $0x1400  }
0x6e: {  	[sflag:s10] =	ssyncset.done $0x0  }
0x6f: {  	s21 =	sadd.s32 $0x280, s19;
	[sflag:s10] =	ssyncadd.s32 $0xFFFFEC00  }
0x70: {  	[tilespmem:s20], [sflag:$0x4] =	stream.indirect.gather [hbm4b:s4+s14], $0x40, s21, s14, $0xb8;
	[tilespmem:$0x15220] =	vst v63  }
0x71: {  	_ =	swait.ge [sflag:s28], $0x1400  }
0x72: {  	[sflag:s28] =	ssyncset.done $0x0  }
.Ltmp0:
0x73: {  	s21 =	sadd.s32 $0x2850, s19;
	[sflag:s28] =	ssyncadd.s32 $0xFFFFEC00;
	(pc) =	sbr.rel @p0 .LBB2_2-.Ltmp0, $4  }
0x74: {  	[spmem:s2] =	stream.indirect.scatter.add.f32 [tilespmem:s22], [sflag:$0x6], $0x40, s21, s14, $0xb8;
	[tilespmem:$0x15220] =	vst v63  }
0x75: {  	_ =	swait.ge [sflag:s10], $0x1400  }
0x76: {  	[sflag:s10] =	ssyncset.done $0x0  }
0x77: {  	s19 =	sadd.s32 $0x2D0, s19;
	[sflag:s10] =	ssyncadd.s32 $0xFFFFEC00  }
0x78: {  	[tilespmem:s22], [sflag:$0x5] =	stream.indirect.gather [hbm4b:s4+s14], $0x40, s19, s14, $0xb8;
	[tilespmem:$0x15220] =	vst v63  }
0x79: {  	_ =	swait.ge [sflag:s23], $0x1400  }
0x7a: {  	[sflag:s23] =	ssyncset.done $0x0  }
0x7b: {  	[sflag:s23] =	ssyncadd.s32 $0xFFFFEC00  }
0x7c: {  	[spmem:s2] =	stream.indirect.scatter.add.f32 [tilespmem:s15], [sflag:$0x6], $0x40, s29, s14, $0xb8;
	[tilespmem:$0x15220] =	vst v63  }
0x7d: {  	_ =	swait.ge [sflag:s10], $0x1400  }
0x7e: {  	[sflag:s10] =	ssyncset.done $0x0  }
0x7f: {  	[sflag:s10] =	ssyncadd.s32 $0xFFFFEC00  }
0x80: {  	_ =	swait.ge [sflag:s24], $0x1400  }
0x81: {  	[sflag:s24] =	ssyncset.done $0x0  }
0x82: {  	[sflag:s24] =	ssyncadd.s32 $0xFFFFEC00  }
0x83: {  	[spmem:s2] =	stream.indirect.scatter.add.f32 [tilespmem:s16], [sflag:$0x6], $0x40, s30, s14, $0xb8;
	[tilespmem:$0x15220] =	vst v63  }
0x84: {  	_ =	swait.ge [sflag:s10], $0x1400  }
0x85: {  	[sflag:s10] =	ssyncset.done $0x0  }
0x86: {  	[sflag:s10] =	ssyncadd.s32 $0xFFFFEC00  }
0x87: {  	_ =	swait.ge [sflag:s25], $0x1400  }
0x88: {  	[sflag:s25] =	ssyncset.done $0x0  }
0x89: {  	[sflag:s25] =	ssyncadd.s32 $0xFFFFEC00  }
0x8a: {  	[spmem:s2] =	stream.indirect.scatter.add.f32 [tilespmem:s18], [sflag:$0x6], $0x40, s31, s14, $0xb8;
	[tilespmem:$0x15220] =	vst v63  }
0x8b: {  	_ =	swait.ge [sflag:s10], $0x1400  }
0x8c: {  	[sflag:s10] =	ssyncset.done $0x0  }
0x8d: {  	[sflag:s10] =	ssyncadd.s32 $0xFFFFEC00  }
0x8e: {  	_ =	swait.ge [sflag:s26], $0x1400  }
0x8f: {  	[sflag:s26] =	ssyncset.done $0x0  }
0x90: {  	[sflag:s26] =	ssyncadd.s32 $0xFFFFEC00  }
0x91: {  	[spmem:s2] =	stream.indirect.scatter.add.f32 [tilespmem:s20], [sflag:$0x6], $0x40, s1, s14, $0xb8;
	[tilespmem:$0x15220] =	vst v63  }
0x92: {  	_ =	swait.ge [sflag:s10], $0x1400  }
0x93: {  	[sflag:s10] =	ssyncset.done $0x0  }
0x94: {  	[sflag:s10] =	ssyncadd.s32 $0xFFFFEC00  }
0x95: {  	_ =	swait.ge [sflag:s28], $0x1400  }
0x96: {  	[sflag:s28] =	ssyncset.done $0x0  }
0x97: {  	[sflag:s28] =	ssyncadd.s32 $0xFFFFEC00  }
0x98: {  	[spmem:s2] =	stream.indirect.scatter.add.f32 [tilespmem:s22], [sflag:$0x6], $0x40, s0, s14, $0xb8;
	[tilespmem:$0x15220] =	vst v63  }
0x99: {  	_ =	swait.ge [sflag:s10], $0x1400  }
0x9a: {  	s11 =	sadd.s32 $0x1, s11;
	[sflag:s10] =	ssyncset.done $0x0  }
0x9b: {  	p0 =	sne.s32 s11, s9;
	[sflag:s10] =	ssyncadd.s32 $0xFFFFEC00  }
.Ltmp1:
0x9c: {  	[bflag:$0x0] =	sbarrier.arrive $0xFFFF;
	(pc) =	sbr.rel @p0 .LBB2_1-.Ltmp1, $4  }
0x9d: {  	[hbm:s8], [sflag:s12] =	dma.local [spmem:s13], $0x1400  }
0x9e: {  	_ =	swait.ge [sflag:s10], $0x1400  }
0x9f: {  	[sflag:s10] =	ssyncset.done $0x0  }
0xa0: {  	[sflag:s10] =	ssyncadd.s32 $0xFFFFEC00  }
0xa1: {  	_ =	sfence.sel $0x180000  }
0xa2: {  	[bflag:$0x0] =	sbarrier.arrive $0xFFFF  }
0xa3: {  	_ =	strace $0x9000004D  }
0xa4: {  	s0 =	stileid.u32;
	[bflag:$0x2] =	sbarrier.arrive $0xFFFF  }
0xa5: {  	p0 =	sne.s32 s0, $0x0;
	s0 =	rddreg [dreg:$0x2]  }
0xa6: {  	s0 =	sadd.s32 @!p0 $0x100000, s0  }
0xa7: {  	[sflag:s0] =	ssyncadd.tile.s32 @!p0 $0x1;
	_ =	shalt  }
.Lfunc_end2:
_tile_overlayer_lowered:
.L_overlay_start_2:
0xa8: {  	(tag) =	ssettag $0x2  }
0xa9: {  	s0 =	rddreg [dreg:$0x0];
	s2 =	stileid.u32  }
0xaa: {  	s1 =	rddreg [dreg:$0x1];
	p0 =	sne.s32 s2, $0x0  }
0xab: {  	s3 =	rddreg [dreg:$0x2];
	[bflag:$0x3] =	sbarrier.arrive $0xFFFF;
	s2 =	simm.s32 @!p0 $0x1C06  }
0xac: {  	[timem:s3], [sflag:s2] =	dma.local @!p0 [hbm:s0], s1  }
0xad: {  	s0 =	simm.s32 @!p0 $0x6  }
0xae: {  	_ =	swait.ge @!p0 [sflag:s0], s1  }
0xaf: {  	s1 =	ssub.s32 @!p0 $0x0, s1;
	[sflag:s0] =	ssyncset.done @!p0 $0x0  }
0xb0: {  	[sflag:s0] =	ssyncadd.s32 @!p0 s1  }
0xb1: {  	[bflag:$0x3] =	sbarrier.arrive $0xFFFF  }
0xb2: {  	_ =	shalt  }

// kernel: kernel.8.cloned.1.call-start
scs
__scs_entry_jumppad:
0x0: {  	(pc) =	sbr.rel $0x88, $3  }
0x1: {  	(tag) =	ssettag $0x0;
	lr =	simm.s32 $0x1  }
0x2: {  	[smem:$0x3F98] =	sst lr;
	_ =	strace $0xD0000000  }
0x3: {  	_ = 	snop  }
0x4: {  	_ = 	snop  }
0x5: {  	_ = 	snop  }
0x6: {  	_ = 	snop  }
0x7: {  	_ = 	snop  }
__scs_overlays_trampoline_lowered:
0x8: {  	[smem:$0x3FA7] =	sst s0  }
0x9: {  	[smem:$0x3FA8] =	sst s1  }
0xa: {  	[smem:$0x3FA9] =	sst s2  }
0xb: {  	[smem:$0x3FAA] =	sst s3  }
0xc: {  	[smem:$0x3FAB] =	sst s4  }
0xd: {  	[smem:$0x3FAC] =	sst s5  }
0xe: {  	[smem:$0x3FAD] =	sst s6  }
0xf: {  	[smem:$0x3FAE] =	sst s7  }
0x10: {  	[smem:$0x3FAF] =	sst s8  }
0x11: {  	[smem:$0x3FB0] =	sst s9;
	s0 =	simm.s32 @!p0 $0x0  }
0x12: {  	s1 =	sld [smem:$0x3F96];
	s0 =	simm.s32 @p0 $0x1  }
0x13: {  	[smem:$0x3FB1] =	sst s0;
	s0 =	simm.s32 @!p1 $0x0  }
0x14: {  	s2 =	sld [smem:$0x3F95];
	s0 =	simm.s32 @p1 $0x1  }
0x15: {  	[smem:$0x3FB2] =	sst s0;
	s0 =	simm.s32 @!p2 $0x0  }
0x16: {  	s3 =	sld [smem:$0x3FDB];
	s0 =	simm.s32 @p2 $0x1  }
0x17: {  	s4 =	simm.s32 $0x1BF5;
	[smem:$0x3FB4] =	sst s0  }
0x18: {  	s0 =	sld [smem:$0x3F97];
	_ =	swait.ge [sflag:s4], $0x0  }
0x19: {  	s7 =	sld [smem:$0x3F98]  }
0x1a: {  	s8 =	sadd.s32 $0xFFFFE003, lr  }
0x1b: {  	s9 =	sadd.s32 $0xFFFFFEF7, lr;
	s5 =	simm.s32 $0xFFFFFFFF;
	p2 =	slt.u32 s8, $0xFFFFF086  }
0x1c: {  	p1 =	slt.u32 s9, $0xF7A;
	s5 =	simm.s32 @!p2 $0x0  }
0x1d: {  	s5 =	simm.s32 @p1 $0x1;
	p0 =	seq.s32 s7, s2  }
0x1e: {  	s7 =	smul.u32 @!p0 $0xF7A, s2;
	p2 =	seq.s32 @!p0 s5, $0x0  }
0x1f: {  	s9 =	smul.u32 $0xF7A, s1;
	s8 =	simm.s32 @!p0 $0x1BF5;
	p2 =	por !p2, p0  }
0x20: {  	[sflag:s8] =	ssyncset.s32 @!p0 $0xFFFFF086;
	s6 =	sadd.s32 @!p0 s3, s7;
	s7 =	simm.s32 @!p0 $0x108  }
0x21: {  	s3 =	sadd.s32 s3, s9;
	s6 =	sadd.s32 @!p0 $0x88, s6;
	s7 =	simm.s32 @p2 $0x1082  }
0x22: {  	[simem:s7], [sflag:s8] =	dma.local @!p0 [hbm:s6], $0xF7A  }
0x23: {  	s9 =	sor.u32 $0xD0000000, s2;
	s6 =	simm.s32 $0x108;
	_ =	swait.ge @!p0 [sflag:s8], $0x0  }
0x24: {  	s3 =	sadd.s32 $0x88, s3;
	s6 =	simm.s32 @!p1 $0x1082;
	[sflag:s4] =	ssyncset.s32 $0xFFFFF086  }
0x25: {  	[simem:s6], [sflag:s4] =	dma.local [hbm:s3], $0xF7A  }
0x26: {  	[smem:$0x3F98] =	sst s1;
	(tag) =	ssettag s2;
	_ =	strace s9  }
0x27: {  	s1 =	sld [smem:$0x3FA8]  }
0x28: {  	s2 =	sld [smem:$0x3FA9]  }
0x29: {  	s4 =	sld [smem:$0x3FAB]  }
0x2a: {  	p0 =	seq.s32 s5, $0x0;
	s5 =	sld [smem:$0x3FAC]  }
0x2b: {  	s6 =	sld [smem:$0x3FAD]  }
0x2c: {  	s7 =	sld [smem:$0x3FAE]  }
0x2d: {  	s3 =	simm.s32 $0x108;
	s8 =	sld [smem:$0x3FAF]  }
0x2e: {  	s3 =	simm.s32 @!p0 $0x1082;
	s9 =	sld [smem:$0x3FB0]  }
0x2f: {  	lr =	sadd.s32 s0, s3;
	s0 =	sld [smem:$0x3FA7]  }
0x30: {  	s3 =	sld [smem:$0x3FAA]  }
0x31: {  	[smem:$0x3FB3] =	sst s10  }
0x32: {  	s10 =	sld [smem:$0x3FB1];
	_ =	sdelay $0x3  }
0x33: {  	p0 =	seq.s32 s10, $0x1;
	s10 =	sld [smem:$0x3FB3];
	_ =	sdelay $0x3  }
0x34: {  	[smem:$0x3FB3] =	sst s10  }
0x35: {  	s10 =	sld [smem:$0x3FB2];
	_ =	sdelay $0x3  }
0x36: {  	p1 =	seq.s32 s10, $0x1;
	s10 =	sld [smem:$0x3FB3];
	_ =	sdelay $0x3  }
0x37: {  	[smem:$0x3FB3] =	sst s10  }
0x38: {  	s10 =	sld [smem:$0x3FB4]  }
0x39: {  	_ = 	snop;
	(pc) =	sbr.ind lr, $3  }
0x3a: {  	_ = 	snop  }
0x3b: {  	_ = 	snop  }
0x3c: {  	p2 =	seq.s32 s10, $0x1;
	s10 =	sld [smem:$0x3FB3]  }
0x3d: {  	_ =	shalt  }
0x3e: {  	_ =	shalt  }
0x3f: {  	_ =	shalt  }
0x40: {  	_ =	shalt  }
0x41: {  	_ =	shalt  }
0x42: {  	_ =	shalt  }
0x43: {  	_ =	shalt  }
0x44: {  	_ =	shalt  }
0x45: {  	_ =	shalt  }
0x46: {  	_ =	shalt  }
0x47: {  	_ =	shalt  }
0x48: {  	_ =	shalt  }
0x49: {  	_ =	shalt  }
0x4a: {  	_ =	shalt  }
0x4b: {  	_ =	shalt  }
0x4c: {  	_ =	shalt  }
0x4d: {  	_ =	shalt  }
0x4e: {  	_ =	shalt  }
0x4f: {  	_ =	shalt  }
0x50: {  	_ =	shalt  }
0x51: {  	_ =	shalt  }
0x52: {  	_ =	shalt  }
0x53: {  	_ =	shalt  }
0x54: {  	_ =	shalt  }
0x55: {  	_ =	shalt  }
0x56: {  	_ =	shalt  }
0x57: {  	_ =	shalt  }
0x58: {  	_ =	shalt  }
0x59: {  	_ =	shalt  }
0x5a: {  	_ =	shalt  }
0x5b: {  	_ =	shalt  }
0x5c: {  	_ =	shalt  }
0x5d: {  	_ =	shalt  }
0x5e: {  	_ =	shalt  }
0x5f: {  	_ =	shalt  }
0x60: {  	_ =	shalt  }
0x61: {  	_ =	shalt  }
0x62: {  	_ =	shalt  }
0x63: {  	_ =	shalt  }
0x64: {  	_ =	shalt  }
0x65: {  	_ =	shalt  }
0x66: {  	_ =	shalt  }
0x67: {  	_ =	shalt  }
0x68: {  	_ =	shalt  }
0x69: {  	_ =	shalt  }
0x6a: {  	_ =	shalt  }
0x6b: {  	_ =	shalt  }
0x6c: {  	_ =	shalt  }
0x6d: {  	_ =	shalt  }
0x6e: {  	_ =	shalt  }
0x6f: {  	_ =	shalt  }
0x70: {  	_ =	shalt  }
0x71: {  	_ =	shalt  }
0x72: {  	_ =	shalt  }
0x73: {  	_ =	shalt  }
0x74: {  	_ =	shalt  }
0x75: {  	_ =	shalt  }
0x76: {  	_ =	shalt  }
0x77: {  	_ =	shalt  }
0x78: {  	_ =	shalt  }
0x79: {  	_ =	shalt  }
0x7a: {  	_ =	shalt  }
0x7b: {  	_ =	shalt  }
0x7c: {  	_ =	shalt  }
0x7d: {  	_ =	shalt  }
0x7e: {  	_ =	shalt  }
0x7f: {  	_ =	shalt  }
0x80: {  	_ =	shalt  }
0x81: {  	_ =	shalt  }
0x82: {  	_ =	shalt  }
0x83: {  	_ =	shalt  }
0x84: {  	_ =	shalt  }
0x85: {  	_ =	shalt  }
0x86: {  	_ =	shalt  }
0x87: {  	_ =	shalt  }
.Lfunc_end0:
.L_simem_size_0:
called_computation_lowered:
.L_overlay_start_0:
0x88: {  	s2 =	sld [smem:$0x3FD9]  }
0x89: {  	s3 =	sld [smem:$0x3FFE];
	_ =	sdelay $0x1  }
0x8a: {  	s1 =	srdreg.scid  }
0x8b: {  	s0 =	sand.u32 $0x1, s1  }
0x8c: {  	s16 =	sshll.u32 s0, $0xA;
	s2 =	sadd.s32 s3, s2  }
0x8d: {  	s2 =	sadd.s32 s2, s16  }
0x8e: {  	[smem:$0x3FBF] =	sst s2  }
0x8f: {  	_ = 	snop  }
0x90: {  	(tm) =	ssettm $0x1  }
0x91: {  	s17 =	sld [smem:$0x3FFB];
	_ =	sdelay $0x3  }
0x92: {  	_ =	strace s17  }
0x93: {  	s2 =	sld [smem:$0x3FFC];
	_ =	sdelay $0x3  }
0x94: {  	_ =	strace s2  }
0x95: {  	s2 =	sld [smem:$0x3FFD];
	_ =	sdelay $0x3  }
0x96: {  	_ =	strace s2  }
0x97: {  	_ =	strace $0x8FFFFFFF  }
0x98: {  	s18 =	sld [smem:$0x3FDB];
	_ =	sdelay $0x1  }
0x99: {  	s19 =	simm.s32 $_scs_section_size  }
0x9a: {  	s4 =	simm.s32 $_size__tile_overlayer_lowered;
	s5 =	simm.s32 $_tile_overlayer_lowered  }
0x9b: {  	s22 =	simm.s32 $0x1BFF;
	s21 =	sshll.u32 s5, $0x1;
	s2 =	sadd.s32 s19, s18  }
0x9c: {  	s6 =	simm.s32 $0x0;
	s20 =	sshll.u32 s4, $0x1;
	s4 =	sadd.s32 s21, s2  }
0x9d: {  	[timem:s6], [sflag:s22] =	dma.local [hbm:s4], s20  }
0x9e: {  	_ =	swait.ge [sflag:s22], s20  }
0x9f: {  	s3 =	ssub.s32 $0x0, s20;
	[sflag:s22] =	ssyncset.done $0x0  }
0xa0: {  	[sflag:s22] =	ssyncadd.s32 s3;
	_ =	sdelay $0x1  }
0xa1: {  	s23 =	simm.s32 $0x1B8B  }
0xa2: {  	_ =	swait.ge [sflag:s23], $0x1  }
0xa3: {  	[sflag:s23] =	ssyncset.done $0x0  }
0xa4: {  	s25 =	simm.s32 $0x1B8E;
	s24 =	sld [smem:$0x3FFE];
	[sflag:s23] =	ssyncadd.s32 $0xFFFFFFFF  }
0xa5: {  	s26 =	simm.s32 $execute0_lowered;
	[smem:$0x3FD2] =	sst s25  }
0xa6: {  	s4 =	sshll.u32 s26, $0x1;
	_ =	strace $0x80000046;
	[dreg:$0x1] =	wrdreg $0xFFFFFFFF  }
0xa7: {  	s28 =	simm.s32 $_size_execute0_lowered;
	s2 =	sadd.s32 s2, s4;
	[dreg:$0x0] =	wrdreg $0x0  }
0xa8: {  	s4 =	sshll.u32 s28, $0x1;
	[dreg:$0x2] =	wrdreg s2  }
0xa9: {  	[dreg:$0x3] =	wrdreg s4  }
0xaa: {  	[dreg:$0x4] =	wrdreg $0xC0  }
0xab: {  	_ =	task [dreg:s6], $0x5FFFF  }
0xac: {  	[dreg:$0x1] =	wrdreg $0xFFFFFFFF  }
0xad: {  	[dreg:$0x0] =	wrdreg $0x60  }
0xae: {  	[dreg:$0x2] =	wrdreg s24  }
0xaf: {  	[dreg:$0x3] =	wrdreg $0x2C100  }
0xb0: {  	[dreg:$0x4] =	wrdreg $0x9  }
0xb1: {  	_ =	task.clear_ibuf [dreg:s6], $0x5FFFF;
	_ =	strace $0x90000046  }
0xb2: {  	s29 =	simm.s32 $0x9;
	_ =	strace $0x80000048  }
0xb3: {  	_ =	swait.ge [sflag:s29], $0x1  }
0xb4: {  	[sflag:s29] =	ssyncadd.s32 $0xFFFFFFFF  }
0xb5: {  	_ =	strace $0x90000048  }
0xb6: {  	_ =	sfence  }
0xb7: {  	s30 =	sld [smem:$0x0];
	_ =	sdelay $0x2  }
0xb8: {  	s31 =	sshll.u32 s1, $0xD;
	s1 =	sshrl.u32 s1, $0x2  }
0xb9: {  	s3 =	sand.u32 $0x4000, s31;
	s1 =	sadd.s32 s1, s30  }
0xba: {  	s0 =	sor.u32 s3, s0;
	s1 =	sshll.u32 s1, $0x11  }
0xbb: {  	s0 =	sor.u32 s1, s0  }
0xbc: {  	s0 =	sadd.s32 $0x8F2B, s0  }
0xbd: {  	[sflag:s0] =	ssyncadd.remote.s32 $0x1  }
0xbe: {  	_ =	sfence.sel $0xFFFF  }
0xbf: {  	[dreg:$0x0] =	wrdreg $0xFFFFFFFF;
	(pc) =	sbr.abs _section_cstart, $3  }
0xc0: {  	[dreg:$0x1] =	wrdreg $0xFFFFFFFF  }
0xc1: {  	_ =	task.clear_ibuf [dreg:s6], $0x2FFFF;
	_ =	strace $0x9FFFFFFF  }
0xc2: {  	(tm) =	ssettm $0x7FFFFFFF  }
0xc3: {  	_ =	shalt  }
tec
execute0_lowered:
.L_overlay_start_1:
0x0: {  	(tag) =	ssettag $0x1  }
0x1: {  	s1 =	srdreg.scid;
	s6 =	rddreg [dreg:$0x0]  }
0x2: {  	s0 =	stileid.u32;
	s2 =	rddreg [dreg:$0x1]  }
0x3: {  	s3 =	simm.s32 $0x0;
	s13 =	simm.s32 $0x50;
	s14 =	simm.s32 $0x1  }
0x4: {  	s15 =	simm.s32 $0x0;
	s5 =	sand.u32 $0x1, s1;
	s30 =	sshll.u32 s0, $0x1  }
0x5: {  	s7 =	smul.u32 $0x2800, s0;
	[smem:$0x7FF] =	sst s3;
	s31 =	sshll.u32 s0, $0x6  }
0x6: {  	s1 =	sor.u32 s5, s30;
	s8 =	smul.u32 $0x28000, s5;
	s5 =	ssub.s32 $0x2, s5  }
0x7: {  	s4 =	smul.u32 $0x4E2, s1;
	s1 =	rddreg [dreg:$0x2];
	_ =	strace $0x80000047  }
0x8: {  	s10 =	sshrl.u32 s7, $0x3;
	s11 =	sshrl.u32 s5, $0x1;
	s12 =	sadd.s32 s7, s2  }
0x9: {  	s8 =	sadd.s32 s7, s8;
	s10 =	sadd.s32 s10, s6;
	s11 =	ssub.s32 s5, s11  }
0xa: {  	s12 =	sshrl.u32 s12, $0x3;
	s9 =	sadd.s32 s4, s6;
	s8 =	sshrl.u32 s8, $0x3  }
0xb: {  	s4 =	sadd.s32 $0x11200, s6;
	s8 =	sadd.s32 s8, s6;
	s5 =	sadd.s32 $0x2400, s9  }
0xc: {  	s6 =	sadd.s32 $0xC200, s10;
	s9 =	simm.s32 $0x2;
	s10 =	simm.s32 $0x2710  }
0xd: {  	s7 =	sadd.s32 $0x11400, s8;
	s8 =	smax.u32 s11, $0x1;
	s11 =	sor.u32 $0x1C02, s31  }
.LBB2_1:
0xe: {  	[tilespmem:s3], [sflag:$0x2] =	stream.linear.gather [hbm4b:s5+s3], $0x2710, $0x38;
	[tilespmem:$0x5410] =	vst v63  }
0xf: {  	_ =	swait.ge [sflag:s9], $0x2710  }
0x10: {  	[sflag:s9] =	ssyncset.done $0x0  }
0x11: {  	[sflag:s9] =	ssyncadd.s32 $0xFFFFD8F0  }
0x12: {  	[tilespmem:s10], [sflag:$0x2] =	stream.linear.gather [hbm4b:s4+s3], $0x500, $0x38;
	[tilespmem:$0x5410] =	vst v63  }
0x13: {  	_ =	swait.ge [sflag:s9], $0x500  }
0x14: {  	[sflag:s9] =	ssyncset.done $0x0  }
0x15: {  	[sflag:s9] =	ssyncadd.s32 $0xFFFFFB00  }
0x16: {  	[spmem:s12], [sflag:s11] =	dma.local [hbm:s6], $0x500  }
0x17: {  	_ =	swait.ge [sflag:s9], $0x500  }
0x18: {  	[sflag:s9] =	ssyncset.done $0x0  }
0x19: {  	[sflag:s9] =	ssyncadd.s32 $0xFFFFFB00  }
0x1a: {  	s16 =	simm.s32 $0x0;
	[bflag:$0x0] =	sbarrier.arrive $0xFFFF  }
.LBB2_2:
0x1b: {  	p0 =	sne.s32 s16, $0x9B00  }
.Ltmp0:
0x1c: {  	_ = 	snop;
	(pc) =	sbr.rel @p0 .LBB2_2-.Ltmp0, $3  }
0x1d: {  	_ =	sdelay $0x1  }
0x1e: {  	s17 =	sshra.s32 s16, $0x2;
	s16 =	sadd.s32 $0x140, s16  }
0x1f: {  	[spmem:s2] =	stream.indirect.scatter.add.f32 [tilespmem:s10], [sflag:$0x1], $0x10, s17, s13, $0xb8;
	[tilespmem:$0x5410] =	vst v63  }
0x20: {  	_ =	swait.ge [sflag:s14], $0x500  }
0x21: {  	s16 =	simm.s32 $0x7C;
	[sflag:s14] =	ssyncset.done $0x0  }
.LBB2_4:
0x22: {  	p0 =	sne.s32 s16, $0x1;
	s16 =	sadd.s32 $0xFFFFFFFF, s16;
	[sflag:s14] =	ssyncadd.s32 $0xFFFFFB00  }
.Ltmp1:
0x23: {  	(pc) =	sbr.rel @p0 .LBB2_4-.Ltmp1, $3  }
0x24: {  	_ =	sdelay $0x1  }
0x25: {  	_ =	swait.ge [sflag:s14], $0x500  }
0x26: {  	[sflag:s14] =	ssyncset.done $0x0  }
0x27: {  	s15 =	sadd.s32 $0x1, s15  }
0x28: {  	[sflag:s14] =	ssyncadd.s32 $0xFFFFFB00;
	p0 =	sne.s32 s15, s8  }
.Ltmp2:
0x29: {  	[bflag:$0x0] =	sbarrier.arrive $0xFFFF;
	(pc) =	sbr.rel @p0 .LBB2_1-.Ltmp2, $4  }
0x2a: {  	[hbm:s7], [sflag:s11] =	dma.local [spmem:s12], $0x500  }
0x2b: {  	_ =	swait.ge [sflag:s9], $0x500  }
0x2c: {  	[sflag:s9] =	ssyncset.done $0x0  }
0x2d: {  	[sflag:s9] =	ssyncadd.s32 $0xFFFFFB00  }
0x2e: {  	_ =	sfence.sel $0x180000  }
0x2f: {  	[bflag:$0x0] =	sbarrier.arrive $0xFFFF  }
0x30: {  	p0 =	sne.s32 s0, $0x0;
	_ =	strace $0x90000047  }
0x31: {  	s0 =	sadd.s32 @!p0 $0x100000, s1;
	[bflag:$0x2] =	sbarrier.arrive $0xFFFF  }
0x32: {  	[sflag:s0] =	ssyncadd.tile.s32 @!p0 $0x1;
	_ =	shalt  }
.Lfunc_end2:
_tile_overlayer_lowered:
.L_overlay_start_2:
0x33: {  	(tag) =	ssettag $0x2  }
0x34: {  	s0 =	rddreg [dreg:$0x0];
	s2 =	stileid.u32  }
0x35: {  	s1 =	rddreg [dreg:$0x1];
	p0 =	sne.s32 s2, $0x0  }
0x36: {  	s3 =	rddreg [dreg:$0x2];
	[bflag:$0x3] =	sbarrier.arrive $0xFFFF;
	s2 =	simm.s32 @!p0 $0x1C02  }
0x37: {  	[timem:s3], [sflag:s2] =	dma.local @!p0 [hbm:s0], s1  }
0x38: {  	s0 =	simm.s32 @!p0 $0x2  }
0x39: {  	_ =	swait.ge @!p0 [sflag:s0], s1  }
0x3a: {  	s1 =	ssub.s32 @!p0 $0x0, s1;
	[sflag:s0] =	ssyncset.done @!p0 $0x0  }
0x3b: {  	[sflag:s0] =	ssyncadd.s32 @!p0 s1  }
0x3c: {  	[bflag:$0x3] =	sbarrier.arrive $0xFFFF  }
0x3d: {  	_ =	shalt  }

</sc_bundles>
